<compile_context>
chip_gen: v7x
topology: tpu7x:2x2x1
jax: 0.10.2.dev20260603
libtpu: 0.0.44.dev20260713+nightly
codegen_flags: <defaults>
</compile_context>

<pallas_src>
import functools

import jax
import jax.numpy as jnp
from jax import lax
from jax.experimental import pallas as pl
from jax.experimental.pallas import tpu as pltpu
from jax.experimental.pallas import tpu_sc as plsc

TOKENS = 16384
DIM = 2048
N_EXPERTS = 16
K = 2
BT = 1024

NW = 32
TPW = TOKENS // NW
NG = TPW // 16


def _mm_block(x_ref, w_ref, logits_ref):
    logits_ref[...] = jax.lax.dot_general(
        x_ref[...], w_ref[...], (((1,), (1,)), ((), ())),
        preferred_element_type=jnp.float32,
    )


def _tc_logits(x, W):
    grid = (TOKENS // BT,)
    return pl.pallas_call(
        _mm_block,
        grid=grid,
        in_specs=[
            pl.BlockSpec((BT, DIM), lambda i: (i, 0)),
            pl.BlockSpec((N_EXPERTS, DIM), lambda i: (0, 0)),
        ],
        out_specs=pl.BlockSpec((BT, N_EXPERTS), lambda i: (i, 0)),
        out_shape=jax.ShapeDtypeStruct((TOKENS, N_EXPERTS), jnp.float32),
    )(x, W)


def _sc_route_body(logits_hbm, gates_hbm, vals_hbm, idx_hbm,
                   lbuf, gbuf, vbuf, ibuf):
    wid = lax.axis_index("s") * 2 + lax.axis_index("c")
    base = wid * TPW
    pltpu.sync_copy(logits_hbm.at[pl.ds(base * N_EXPERTS, TPW * N_EXPERTS)], lbuf)

    lane = lax.iota(jnp.int32, 16)

    def group(g, carry):
        row0 = g * 16
        rows = lane + row0
        lrows = rows * N_EXPERTS
        krows = rows * K
        cols = []
        for e in range(N_EXPERTS):
            cols.append(plsc.load_gather(lbuf, [lrows + e]))
        m = cols[0]
        for e in range(1, N_EXPERTS):
            m = jnp.maximum(m, cols[e])
        evecs = [jnp.exp(c - m) for c in cols]
        s = evecs[0]
        for e in range(1, N_EXPERTS):
            s = s + evecs[e]
        rinv = 1.0 / s
        v1 = jnp.full((16,), -jnp.inf, jnp.float32)
        v2 = jnp.full((16,), -jnp.inf, jnp.float32)
        i1 = jnp.zeros((16,), jnp.int32)
        i2 = jnp.zeros((16,), jnp.int32)
        for e in range(N_EXPERTS):
            ge = evecs[e] * rinv
            ce = jnp.full((16,), e, jnp.int32)
            plsc.store_scatter(gbuf, [lrows + e], ge)
            gt1 = ge > v1
            gt2 = ge > v2
            v2 = jnp.where(gt1, v1, jnp.where(gt2, ge, v2))
            i2 = jnp.where(gt1, i1, jnp.where(gt2, ce, i2))
            v1 = jnp.where(gt1, ge, v1)
            i1 = jnp.where(gt1, ce, i1)
        plsc.store_scatter(vbuf, [krows], v1)
        plsc.store_scatter(vbuf, [krows + 1], v2)
        plsc.store_scatter(ibuf, [krows], i1)
        plsc.store_scatter(ibuf, [krows + 1], i2)
        return carry

    lax.fori_loop(0, NG, group, 0)

    pltpu.sync_copy(gbuf, gates_hbm.at[pl.ds(base * N_EXPERTS, TPW * N_EXPERTS)])
    pltpu.sync_copy(vbuf, vals_hbm.at[pl.ds(base * K, TPW * K)])
    pltpu.sync_copy(ibuf, idx_hbm.at[pl.ds(base * K, TPW * K)])


@functools.partial(
    pl.kernel,
    out_type=[
        jax.ShapeDtypeStruct((TOKENS * N_EXPERTS,), jnp.float32),
        jax.ShapeDtypeStruct((TOKENS * K,), jnp.float32),
        jax.ShapeDtypeStruct((TOKENS * K,), jnp.int32),
    ],
    mesh=plsc.VectorSubcoreMesh(core_axis_name="c", subcore_axis_name="s"),
    compiler_params=pltpu.CompilerParams(needs_layout_passes=False),
    scratch_types=[
        pltpu.VMEM((TPW * N_EXPERTS,), jnp.float32),
        pltpu.VMEM((TPW * N_EXPERTS,), jnp.float32),
        pltpu.VMEM((TPW * K,), jnp.float32),
        pltpu.VMEM((TPW * K,), jnp.int32),
    ],
)
def _sc_route(logits_hbm, gates_hbm, vals_hbm, idx_hbm, lbuf, gbuf, vbuf, ibuf):
    _sc_route_body(logits_hbm, gates_hbm, vals_hbm, idx_hbm,
                   lbuf, gbuf, vbuf, ibuf)


@jax.jit
def kernel(x, W):
    logits = _tc_logits(x, W)
    gates, vals, idx = _sc_route(logits.reshape(-1))
    return (
        gates.reshape(TOKENS, N_EXPERTS),
        vals.reshape(TOKENS, K),
        idx.reshape(TOKENS, K),
    )

# --- scband reference (transcript-rebuilt; emitter-appended) ---
"""Pipeline reference for scband-top-krouter-38628935860428 (READ-ONLY COPY).

The authoritative reference and input builder live on the scoring server;
editing this copy changes nothing except your own understanding.
"""

import jax, jax.numpy as jnp
import numpy as np

DIM = 2048
N_EXPERTS = 16
K = 2
TOKENS = 16384

def setup_inputs(seed: int = 0) -> dict:
    key = jax.random.key(seed)
    kx, kw = jax.random.split(key)
    x = jax.random.normal(kx, (TOKENS, DIM), dtype=jnp.float32)
    # nn.Linear(dim, n_experts, bias=False) weight has shape [n_experts, dim]
    bound = 1.0 / np.sqrt(DIM)
    W = jax.random.uniform(kw, (N_EXPERTS, DIM), dtype=jnp.float32, minval=-bound, maxval=bound)
    return {"x": x, "W": W}

def reference(x, W):
    logits = x @ W.T
    gates = jax.nn.softmax(logits, axis=-1)
    topk_vals, topk_idx = jax.lax.top_k(gates, K)
    return (gates, topk_vals, topk_idx)

if __name__ == "__main__":
    import jax
    _d = setup_inputs()
    print(jax.jit(kernel)(*tuple(_d.values())))

</pallas_src>

<mosaic_0001>
#map = affine_map<(d0, d1) -> (0)>
module attributes {stable_mosaic.version = 14 : i64} {
  func.func @_sc_route(%arg0: i32, %arg1: i32, %arg2: memref<262144xf32, #tpu.memory_space<hbm>>, %arg3: memref<262144xf32, #tpu.memory_space<hbm>>, %arg4: memref<32768xf32, #tpu.memory_space<hbm>>, %arg5: memref<32768xi32, #tpu.memory_space<hbm>>, %arg6: memref<8192xf32, #tpu.memory_space<vmem>>, %arg7: memref<8192xf32, #tpu.memory_space<vmem>>, %arg8: memref<1024xf32, #tpu.memory_space<vmem>>, %arg9: memref<1024xi32, #tpu.memory_space<vmem>>) attributes {dimension_semantics = [#tpu.dimension_semantics<core_parallel>, #tpu.dimension_semantics<subcore_parallel>], iteration_bounds = array<i64: 2, 16>, scalar_prefetch = 0 : i64, scratch_operands = 4 : i64, tpu.core_type = #tpu.core_type<sc_vector_subcore>, window_params = [{transform_indices = #map}, {transform_indices = #map}, {transform_indices = #map}, {transform_indices = #map}]} {
    %mul3A = arith.constant 2 : i32
    %mul3A_0 = arith.muli %arg1, %mul3A : i32
    %add3A = arith.addi %mul3A_0, %arg0 : i32
    %mul3A_1 = arith.constant 512 : i32
    %mul3A_2 = arith.muli %add3A, %mul3A_1 : i32
    %mul3A_3 = arith.constant 16 : i32
    %mul3A_4 = arith.muli %mul3A_2, %mul3A_3 : i32
    "tpu.region"() ({
      %run_scoped3A = tpu.sem_alloc : memref<!tpu.dma_semaphore, #tpu.memory_space<semaphore_mem>>
      %dma_start3A = tpu.memref_slice %arg2[%mul3A_4] : memref<262144xf32, #tpu.memory_space<hbm>> -> memref<8192xf32, #tpu.memory_space<hbm>>
      %dma_start3A_16 = tpu.memref_slice %arg2[%mul3A_4] : memref<262144xf32, #tpu.memory_space<hbm>> -> memref<8192xf32, #tpu.memory_space<hbm>>
      tpu.enqueue_dma source(%dma_start3A_16 : memref<8192xf32, #tpu.memory_space<hbm>>) target(%arg6 : memref<8192xf32, #tpu.memory_space<vmem>>) target_semaphore(%run_scoped3A : memref<!tpu.dma_semaphore, #tpu.memory_space<semaphore_mem>>)
      %dma_wait3A = tpu.memref_slice %arg2[%mul3A_4] : memref<262144xf32, #tpu.memory_space<hbm>> -> memref<8192xf32, #tpu.memory_space<hbm>>
      %dma_wait3A_17 = tpu.memref_slice %arg2[%mul3A_4] : memref<262144xf32, #tpu.memory_space<hbm>> -> memref<8192xf32, #tpu.memory_space<hbm>>
      tpu.wait_dma2 semaphore(%run_scoped3A : memref<!tpu.dma_semaphore, #tpu.memory_space<semaphore_mem>>) src(%dma_wait3A_17 : memref<8192xf32, #tpu.memory_space<hbm>>) dst(%arg6 : memref<8192xf32, #tpu.memory_space<vmem>>)
      tpu.yield
    }) : () -> ()
    %iota3A = tpu.iota {dimensions = array<i32: 0>} : vector<16xi32>
    %scan3A = arith.constant 0 : i32
    %scan3A_5 = arith.constant 0 : i32
    %scan3A_6 = arith.constant 32 : i32
    %scan3A_7 = arith.addi %scan3A_5, %scan3A_6 : i32
    %scan3A_8 = arith.constant 1 : i32
    scf.for %scan3A_16 = %scan3A_5 to %scan3A_7 step %scan3A_8  : i32 {
      %mul3A_17 = arith.constant 16 : i32
      %mul3A_18 = arith.muli %scan3A_16, %mul3A_17 : i32
      %add3A_19 = vector.broadcast %mul3A_18 : i32 to vector<16xi32>
      %add3A_20 = arith.addi %iota3A, %add3A_19 : vector<16xi32>
      %mul3A_21 = arith.constant 16 : i32
      %mul3A_22 = vector.broadcast %mul3A_21 : i32 to vector<16xi32>
      %mul3A_23 = arith.muli %add3A_20, %mul3A_22 : vector<16xi32>
      %mul3A_24 = arith.constant 2 : i32
      %mul3A_25 = vector.broadcast %mul3A_24 : i32 to vector<16xi32>
      %mul3A_26 = arith.muli %add3A_20, %mul3A_25 : vector<16xi32>
      %add3A_27 = arith.constant 0 : i32
      %add3A_28 = vector.broadcast %add3A_27 : i32 to vector<16xi32>
      %add3A_29 = arith.addi %mul3A_23, %add3A_28 : vector<16xi32>
      %gather3A = tpu.vector_load_idx %arg6[%add3A_29] : memref<8192xf32, #tpu.memory_space<vmem>>[vector<16xi32>], vector<16xf32>,
      %add3A_30 = arith.constant 1 : i32
      %add3A_31 = vector.broadcast %add3A_30 : i32 to vector<16xi32>
      %add3A_32 = arith.addi %mul3A_23, %add3A_31 : vector<16xi32>
      %gather3A_33 = tpu.vector_load_idx %arg6[%add3A_32] : memref<8192xf32, #tpu.memory_space<vmem>>[vector<16xi32>], vector<16xf32>,
      %add3A_34 = arith.constant 2 : i32
      %add3A_35 = vector.broadcast %add3A_34 : i32 to vector<16xi32>
      %add3A_36 = arith.addi %mul3A_23, %add3A_35 : vector<16xi32>
      %gather3A_37 = tpu.vector_load_idx %arg6[%add3A_36] : memref<8192xf32, #tpu.memory_space<vmem>>[vector<16xi32>], vector<16xf32>,
      %add3A_38 = arith.constant 3 : i32
      %add3A_39 = vector.broadcast %add3A_38 : i32 to vector<16xi32>
      %add3A_40 = arith.addi %mul3A_23, %add3A_39 : vector<16xi32>
      %gather3A_41 = tpu.vector_load_idx %arg6[%add3A_40] : memref<8192xf32, #tpu.memory_space<vmem>>[vector<16xi32>], vector<16xf32>,
      %add3A_42 = arith.constant 4 : i32
      %add3A_43 = vector.broadcast %add3A_42 : i32 to vector<16xi32>
      %add3A_44 = arith.addi %mul3A_23, %add3A_43 : vector<16xi32>
      %gather3A_45 = tpu.vector_load_idx %arg6[%add3A_44] : memref<8192xf32, #tpu.memory_space<vmem>>[vector<16xi32>], vector<16xf32>,
      %add3A_46 = arith.constant 5 : i32
      %add3A_47 = vector.broadcast %add3A_46 : i32 to vector<16xi32>
      %add3A_48 = arith.addi %mul3A_23, %add3A_47 : vector<16xi32>
      %gather3A_49 = tpu.vector_load_idx %arg6[%add3A_48] : memref<8192xf32, #tpu.memory_space<vmem>>[vector<16xi32>], vector<16xf32>,
      %add3A_50 = arith.constant 6 : i32
      %add3A_51 = vector.broadcast %add3A_50 : i32 to vector<16xi32>
      %add3A_52 = arith.addi %mul3A_23, %add3A_51 : vector<16xi32>
      %gather3A_53 = tpu.vector_load_idx %arg6[%add3A_52] : memref<8192xf32, #tpu.memory_space<vmem>>[vector<16xi32>], vector<16xf32>,
      %add3A_54 = arith.constant 7 : i32
      %add3A_55 = vector.broadcast %add3A_54 : i32 to vector<16xi32>
      %add3A_56 = arith.addi %mul3A_23, %add3A_55 : vector<16xi32>
      %gather3A_57 = tpu.vector_load_idx %arg6[%add3A_56] : memref<8192xf32, #tpu.memory_space<vmem>>[vector<16xi32>], vector<16xf32>,
      %add3A_58 = arith.constant 8 : i32
      %add3A_59 = vector.broadcast %add3A_58 : i32 to vector<16xi32>
      %add3A_60 = arith.addi %mul3A_23, %add3A_59 : vector<16xi32>
      %gather3A_61 = tpu.vector_load_idx %arg6[%add3A_60] : memref<8192xf32, #tpu.memory_space<vmem>>[vector<16xi32>], vector<16xf32>,
      %add3A_62 = arith.constant 9 : i32
      %add3A_63 = vector.broadcast %add3A_62 : i32 to vector<16xi32>
      %add3A_64 = arith.addi %mul3A_23, %add3A_63 : vector<16xi32>
      %gather3A_65 = tpu.vector_load_idx %arg6[%add3A_64] : memref<8192xf32, #tpu.memory_space<vmem>>[vector<16xi32>], vector<16xf32>,
      %add3A_66 = arith.constant 10 : i32
      %add3A_67 = vector.broadcast %add3A_66 : i32 to vector<16xi32>
      %add3A_68 = arith.addi %mul3A_23, %add3A_67 : vector<16xi32>
      %gather3A_69 = tpu.vector_load_idx %arg6[%add3A_68] : memref<8192xf32, #tpu.memory_space<vmem>>[vector<16xi32>], vector<16xf32>,
      %add3A_70 = arith.constant 11 : i32
      %add3A_71 = vector.broadcast %add3A_70 : i32 to vector<16xi32>
      %add3A_72 = arith.addi %mul3A_23, %add3A_71 : vector<16xi32>
      %gather3A_73 = tpu.vector_load_idx %arg6[%add3A_72] : memref<8192xf32, #tpu.memory_space<vmem>>[vector<16xi32>], vector<16xf32>,
      %add3A_74 = arith.constant 12 : i32
      %add3A_75 = vector.broadcast %add3A_74 : i32 to vector<16xi32>
      %add3A_76 = arith.addi %mul3A_23, %add3A_75 : vector<16xi32>
      %gather3A_77 = tpu.vector_load_idx %arg6[%add3A_76] : memref<8192xf32, #tpu.memory_space<vmem>>[vector<16xi32>], vector<16xf32>,
      %add3A_78 = arith.constant 13 : i32
      %add3A_79 = vector.broadcast %add3A_78 : i32 to vector<16xi32>
      %add3A_80 = arith.addi %mul3A_23, %add3A_79 : vector<16xi32>
      %gather3A_81 = tpu.vector_load_idx %arg6[%add3A_80] : memref<8192xf32, #tpu.memory_space<vmem>>[vector<16xi32>], vector<16xf32>,
      %add3A_82 = arith.constant 14 : i32
      %add3A_83 = vector.broadcast %add3A_82 : i32 to vector<16xi32>
      %add3A_84 = arith.addi %mul3A_23, %add3A_83 : vector<16xi32>
      %gather3A_85 = tpu.vector_load_idx %arg6[%add3A_84] : memref<8192xf32, #tpu.memory_space<vmem>>[vector<16xi32>], vector<16xf32>,
      %add3A_86 = arith.constant 15 : i32
      %add3A_87 = vector.broadcast %add3A_86 : i32 to vector<16xi32>
      %add3A_88 = arith.addi %mul3A_23, %add3A_87 : vector<16xi32>
      %gather3A_89 = tpu.vector_load_idx %arg6[%add3A_88] : memref<8192xf32, #tpu.memory_space<vmem>>[vector<16xi32>], vector<16xf32>,
      %max3A = arith.maximumf %gather3A, %gather3A_33 : vector<16xf32>
      %max3A_90 = arith.maximumf %max3A, %gather3A_37 : vector<16xf32>
      %max3A_91 = arith.maximumf %max3A_90, %gather3A_41 : vector<16xf32>
      %max3A_92 = arith.maximumf %max3A_91, %gather3A_45 : vector<16xf32>
      %max3A_93 = arith.maximumf %max3A_92, %gather3A_49 : vector<16xf32>
      %max3A_94 = arith.maximumf %max3A_93, %gather3A_53 : vector<16xf32>
      %max3A_95 = arith.maximumf %max3A_94, %gather3A_57 : vector<16xf32>
      %max3A_96 = arith.maximumf %max3A_95, %gather3A_61 : vector<16xf32>
      %max3A_97 = arith.maximumf %max3A_96, %gather3A_65 : vector<16xf32>
      %max3A_98 = arith.maximumf %max3A_97, %gather3A_69 : vector<16xf32>
      %max3A_99 = arith.maximumf %max3A_98, %gather3A_73 : vector<16xf32>
      %max3A_100 = arith.maximumf %max3A_99, %gather3A_77 : vector<16xf32>
      %max3A_101 = arith.maximumf %max3A_100, %gather3A_81 : vector<16xf32>
      %max3A_102 = arith.maximumf %max3A_101, %gather3A_85 : vector<16xf32>
      %max3A_103 = arith.maximumf %max3A_102, %gather3A_89 : vector<16xf32>
      %sub3A = arith.subf %gather3A, %max3A_103 : vector<16xf32>
      %exp3A = math.exp %sub3A : vector<16xf32>
      %sub3A_104 = arith.subf %gather3A_33, %max3A_103 : vector<16xf32>
      %exp3A_105 = math.exp %sub3A_104 : vector<16xf32>
      %sub3A_106 = arith.subf %gather3A_37, %max3A_103 : vector<16xf32>
      %exp3A_107 = math.exp %sub3A_106 : vector<16xf32>
      %sub3A_108 = arith.subf %gather3A_41, %max3A_103 : vector<16xf32>
      %exp3A_109 = math.exp %sub3A_108 : vector<16xf32>
      %sub3A_110 = arith.subf %gather3A_45, %max3A_103 : vector<16xf32>
      %exp3A_111 = math.exp %sub3A_110 : vector<16xf32>
      %sub3A_112 = arith.subf %gather3A_49, %max3A_103 : vector<16xf32>
      %exp3A_113 = math.exp %sub3A_112 : vector<16xf32>
      %sub3A_114 = arith.subf %gather3A_53, %max3A_103 : vector<16xf32>
      %exp3A_115 = math.exp %sub3A_114 : vector<16xf32>
      %sub3A_116 = arith.subf %gather3A_57, %max3A_103 : vector<16xf32>
      %exp3A_117 = math.exp %sub3A_116 : vector<16xf32>
      %sub3A_118 = arith.subf %gather3A_61, %max3A_103 : vector<16xf32>
      %exp3A_119 = math.exp %sub3A_118 : vector<16xf32>
      %sub3A_120 = arith.subf %gather3A_65, %max3A_103 : vector<16xf32>
      %exp3A_121 = math.exp %sub3A_120 : vector<16xf32>
      %sub3A_122 = arith.subf %gather3A_69, %max3A_103 : vector<16xf32>
      %exp3A_123 = math.exp %sub3A_122 : vector<16xf32>
      %sub3A_124 = arith.subf %gather3A_73, %max3A_103 : vector<16xf32>
      %exp3A_125 = math.exp %sub3A_124 : vector<16xf32>
      %sub3A_126 = arith.subf %gather3A_77, %max3A_103 : vector<16xf32>
      %exp3A_127 = math.exp %sub3A_126 : vector<16xf32>
      %sub3A_128 = arith.subf %gather3A_81, %max3A_103 : vector<16xf32>
      %exp3A_129 = math.exp %sub3A_128 : vector<16xf32>
      %sub3A_130 = arith.subf %gather3A_85, %max3A_103 : vector<16xf32>
      %exp3A_131 = math.exp %sub3A_130 : vector<16xf32>
      %sub3A_132 = arith.subf %gather3A_89, %max3A_103 : vector<16xf32>
      %exp3A_133 = math.exp %sub3A_132 : vector<16xf32>
      %add3A_134 = arith.addf %exp3A, %exp3A_105 : vector<16xf32>
      %add3A_135 = arith.addf %add3A_134, %exp3A_107 : vector<16xf32>
      %add3A_136 = arith.addf %add3A_135, %exp3A_109 : vector<16xf32>
      %add3A_137 = arith.addf %add3A_136, %exp3A_111 : vector<16xf32>
      %add3A_138 = arith.addf %add3A_137, %exp3A_113 : vector<16xf32>
      %add3A_139 = arith.addf %add3A_138, %exp3A_115 : vector<16xf32>
      %add3A_140 = arith.addf %add3A_139, %exp3A_117 : vector<16xf32>
      %add3A_141 = arith.addf %add3A_140, %exp3A_119 : vector<16xf32>
      %add3A_142 = arith.addf %add3A_141, %exp3A_121 : vector<16xf32>
      %add3A_143 = arith.addf %add3A_142, %exp3A_123 : vector<16xf32>
      %add3A_144 = arith.addf %add3A_143, %exp3A_125 : vector<16xf32>
      %add3A_145 = arith.addf %add3A_144, %exp3A_127 : vector<16xf32>
      %add3A_146 = arith.addf %add3A_145, %exp3A_129 : vector<16xf32>
      %add3A_147 = arith.addf %add3A_146, %exp3A_131 : vector<16xf32>
      %add3A_148 = arith.addf %add3A_147, %exp3A_133 : vector<16xf32>
      %div3A = arith.constant 1.000000e+00 : f32
      %div3A_149 = vector.broadcast %div3A : f32 to vector<16xf32>
      %div3A_150 = arith.divf %div3A_149, %add3A_148 : vector<16xf32>
      %broadcast_in_dim3A = arith.constant 0xFF800000 : f32
      %broadcast_in_dim3A_151 = vector.broadcast %broadcast_in_dim3A : f32 to vector<16xf32>
      %broadcast_in_dim3A_152 = arith.constant 0xFF800000 : f32
      %broadcast_in_dim3A_153 = vector.broadcast %broadcast_in_dim3A_152 : f32 to vector<16xf32>
      %broadcast_in_dim3A_154 = arith.constant 0 : i32
      %broadcast_in_dim3A_155 = vector.broadcast %broadcast_in_dim3A_154 : i32 to vector<16xi32>
      %broadcast_in_dim3A_156 = arith.constant 0 : i32
      %broadcast_in_dim3A_157 = vector.broadcast %broadcast_in_dim3A_156 : i32 to vector<16xi32>
      %mul3A_158 = arith.mulf %exp3A, %div3A_150 : vector<16xf32>
      %broadcast_in_dim3A_159 = arith.constant 0 : i32
      %broadcast_in_dim3A_160 = vector.broadcast %broadcast_in_dim3A_159 : i32 to vector<16xi32>
      %add3A_161 = arith.constant 0 : i32
      %add3A_162 = vector.broadcast %add3A_161 : i32 to vector<16xi32>
      %add3A_163 = arith.addi %mul3A_23, %add3A_162 : vector<16xi32>
      tpu.vector_store_idx %arg7[%add3A_163], %mul3A_158 : memref<8192xf32, #tpu.memory_space<vmem>>[vector<16xi32>], vector<16xf32>,
      %gt3A = arith.cmpf ogt, %mul3A_158, %broadcast_in_dim3A_151 : vector<16xf32>
      %gt3A_164 = arith.cmpf ogt, %mul3A_158, %broadcast_in_dim3A_153 : vector<16xf32>
      %select_n3A = arith.select %gt3A_164, %mul3A_158, %broadcast_in_dim3A_153 : vector<16xi1>, vector<16xf32>
      %select_n3A_165 = arith.select %gt3A, %broadcast_in_dim3A_151, %select_n3A : vector<16xi1>, vector<16xf32>
      %select_n3A_166 = arith.select %gt3A_164, %broadcast_in_dim3A_160, %broadcast_in_dim3A_157 : vector<16xi1>, vector<16xi32>
      %select_n3A_167 = arith.select %gt3A, %broadcast_in_dim3A_155, %select_n3A_166 : vector<16xi1>, vector<16xi32>
      %select_n3A_168 = arith.select %gt3A, %mul3A_158, %broadcast_in_dim3A_151 : vector<16xi1>, vector<16xf32>
      %select_n3A_169 = arith.select %gt3A, %broadcast_in_dim3A_160, %broadcast_in_dim3A_155 : vector<16xi1>, vector<16xi32>
      %mul3A_170 = arith.mulf %exp3A_105, %div3A_150 : vector<16xf32>
      %broadcast_in_dim3A_171 = arith.constant 1 : i32
      %broadcast_in_dim3A_172 = vector.broadcast %broadcast_in_dim3A_171 : i32 to vector<16xi32>
      %add3A_173 = arith.constant 1 : i32
      %add3A_174 = vector.broadcast %add3A_173 : i32 to vector<16xi32>
      %add3A_175 = arith.addi %mul3A_23, %add3A_174 : vector<16xi32>
      tpu.vector_store_idx %arg7[%add3A_175], %mul3A_170 : memref<8192xf32, #tpu.memory_space<vmem>>[vector<16xi32>], vector<16xf32>,
      %gt3A_176 = arith.cmpf ogt, %mul3A_170, %select_n3A_168 : vector<16xf32>
      %gt3A_177 = arith.cmpf ogt, %mul3A_170, %select_n3A_165 : vector<16xf32>
      %select_n3A_178 = arith.select %gt3A_177, %mul3A_170, %select_n3A_165 : vector<16xi1>, vector<16xf32>
      %select_n3A_179 = arith.select %gt3A_176, %select_n3A_168, %select_n3A_178 : vector<16xi1>, vector<16xf32>
      %select_n3A_180 = arith.select %gt3A_177, %broadcast_in_dim3A_172, %select_n3A_167 : vector<16xi1>, vector<16xi32>
      %select_n3A_181 = arith.select %gt3A_176, %select_n3A_169, %select_n3A_180 : vector<16xi1>, vector<16xi32>
      %select_n3A_182 = arith.select %gt3A_176, %mul3A_170, %select_n3A_168 : vector<16xi1>, vector<16xf32>
      %select_n3A_183 = arith.select %gt3A_176, %broadcast_in_dim3A_172, %select_n3A_169 : vector<16xi1>, vector<16xi32>
      %mul3A_184 = arith.mulf %exp3A_107, %div3A_150 : vector<16xf32>
      %broadcast_in_dim3A_185 = arith.constant 2 : i32
      %broadcast_in_dim3A_186 = vector.broadcast %broadcast_in_dim3A_185 : i32 to vector<16xi32>
      %add3A_187 = arith.constant 2 : i32
      %add3A_188 = vector.broadcast %add3A_187 : i32 to vector<16xi32>
      %add3A_189 = arith.addi %mul3A_23, %add3A_188 : vector<16xi32>
      tpu.vector_store_idx %arg7[%add3A_189], %mul3A_184 : memref<8192xf32, #tpu.memory_space<vmem>>[vector<16xi32>], vector<16xf32>,
      %gt3A_190 = arith.cmpf ogt, %mul3A_184, %select_n3A_182 : vector<16xf32>
      %gt3A_191 = arith.cmpf ogt, %mul3A_184, %select_n3A_179 : vector<16xf32>
      %select_n3A_192 = arith.select %gt3A_191, %mul3A_184, %select_n3A_179 : vector<16xi1>, vector<16xf32>
      %select_n3A_193 = arith.select %gt3A_190, %select_n3A_182, %select_n3A_192 : vector<16xi1>, vector<16xf32>
      %select_n3A_194 = arith.select %gt3A_191, %broadcast_in_dim3A_186, %select_n3A_181 : vector<16xi1>, vector<16xi32>
      %select_n3A_195 = arith.select %gt3A_190, %select_n3A_183, %select_n3A_194 : vector<16xi1>, vector<16xi32>
      %select_n3A_196 = arith.select %gt3A_190, %mul3A_184, %select_n3A_182 : vector<16xi1>, vector<16xf32>
      %select_n3A_197 = arith.select %gt3A_190, %broadcast_in_dim3A_186, %select_n3A_183 : vector<16xi1>, vector<16xi32>
      %mul3A_198 = arith.mulf %exp3A_109, %div3A_150 : vector<16xf32>
      %broadcast_in_dim3A_199 = arith.constant 3 : i32
      %broadcast_in_dim3A_200 = vector.broadcast %broadcast_in_dim3A_199 : i32 to vector<16xi32>
      %add3A_201 = arith.constant 3 : i32
      %add3A_202 = vector.broadcast %add3A_201 : i32 to vector<16xi32>
      %add3A_203 = arith.addi %mul3A_23, %add3A_202 : vector<16xi32>
      tpu.vector_store_idx %arg7[%add3A_203], %mul3A_198 : memref<8192xf32, #tpu.memory_space<vmem>>[vector<16xi32>], vector<16xf32>,
      %gt3A_204 = arith.cmpf ogt, %mul3A_198, %select_n3A_196 : vector<16xf32>
      %gt3A_205 = arith.cmpf ogt, %mul3A_198, %select_n3A_193 : vector<16xf32>
      %select_n3A_206 = arith.select %gt3A_205, %mul3A_198, %select_n3A_193 : vector<16xi1>, vector<16xf32>
      %select_n3A_207 = arith.select %gt3A_204, %select_n3A_196, %select_n3A_206 : vector<16xi1>, vector<16xf32>
      %select_n3A_208 = arith.select %gt3A_205, %broadcast_in_dim3A_200, %select_n3A_195 : vector<16xi1>, vector<16xi32>
      %select_n3A_209 = arith.select %gt3A_204, %select_n3A_197, %select_n3A_208 : vector<16xi1>, vector<16xi32>
      %select_n3A_210 = arith.select %gt3A_204, %mul3A_198, %select_n3A_196 : vector<16xi1>, vector<16xf32>
      %select_n3A_211 = arith.select %gt3A_204, %broadcast_in_dim3A_200, %select_n3A_197 : vector<16xi1>, vector<16xi32>
      %mul3A_212 = arith.mulf %exp3A_111, %div3A_150 : vector<16xf32>
      %broadcast_in_dim3A_213 = arith.constant 4 : i32
      %broadcast_in_dim3A_214 = vector.broadcast %broadcast_in_dim3A_213 : i32 to vector<16xi32>
      %add3A_215 = arith.constant 4 : i32
      %add3A_216 = vector.broadcast %add3A_215 : i32 to vector<16xi32>
      %add3A_217 = arith.addi %mul3A_23, %add3A_216 : vector<16xi32>
      tpu.vector_store_idx %arg7[%add3A_217], %mul3A_212 : memref<8192xf32, #tpu.memory_space<vmem>>[vector<16xi32>], vector<16xf32>,
      %gt3A_218 = arith.cmpf ogt, %mul3A_212, %select_n3A_210 : vector<16xf32>
      %gt3A_219 = arith.cmpf ogt, %mul3A_212, %select_n3A_207 : vector<16xf32>
      %select_n3A_220 = arith.select %gt3A_219, %mul3A_212, %select_n3A_207 : vector<16xi1>, vector<16xf32>
      %select_n3A_221 = arith.select %gt3A_218, %select_n3A_210, %select_n3A_220 : vector<16xi1>, vector<16xf32>
      %select_n3A_222 = arith.select %gt3A_219, %broadcast_in_dim3A_214, %select_n3A_209 : vector<16xi1>, vector<16xi32>
      %select_n3A_223 = arith.select %gt3A_218, %select_n3A_211, %select_n3A_222 : vector<16xi1>, vector<16xi32>
      %select_n3A_224 = arith.select %gt3A_218, %mul3A_212, %select_n3A_210 : vector<16xi1>, vector<16xf32>
      %select_n3A_225 = arith.select %gt3A_218, %broadcast_in_dim3A_214, %select_n3A_211 : vector<16xi1>, vector<16xi32>
      %mul3A_226 = arith.mulf %exp3A_113, %div3A_150 : vector<16xf32>
      %broadcast_in_dim3A_227 = arith.constant 5 : i32
      %broadcast_in_dim3A_228 = vector.broadcast %broadcast_in_dim3A_227 : i32 to vector<16xi32>
      %add3A_229 = arith.constant 5 : i32
      %add3A_230 = vector.broadcast %add3A_229 : i32 to vector<16xi32>
      %add3A_231 = arith.addi %mul3A_23, %add3A_230 : vector<16xi32>
      tpu.vector_store_idx %arg7[%add3A_231], %mul3A_226 : memref<8192xf32, #tpu.memory_space<vmem>>[vector<16xi32>], vector<16xf32>,
      %gt3A_232 = arith.cmpf ogt, %mul3A_226, %select_n3A_224 : vector<16xf32>
      %gt3A_233 = arith.cmpf ogt, %mul3A_226, %select_n3A_221 : vector<16xf32>
      %select_n3A_234 = arith.select %gt3A_233, %mul3A_226, %select_n3A_221 : vector<16xi1>, vector<16xf32>
      %select_n3A_235 = arith.select %gt3A_232, %select_n3A_224, %select_n3A_234 : vector<16xi1>, vector<16xf32>
      %select_n3A_236 = arith.select %gt3A_233, %broadcast_in_dim3A_228, %select_n3A_223 : vector<16xi1>, vector<16xi32>
      %select_n3A_237 = arith.select %gt3A_232, %select_n3A_225, %select_n3A_236 : vector<16xi1>, vector<16xi32>
      %select_n3A_238 = arith.select %gt3A_232, %mul3A_226, %select_n3A_224 : vector<16xi1>, vector<16xf32>
      %select_n3A_239 = arith.select %gt3A_232, %broadcast_in_dim3A_228, %select_n3A_225 : vector<16xi1>, vector<16xi32>
      %mul3A_240 = arith.mulf %exp3A_115, %div3A_150 : vector<16xf32>
      %broadcast_in_dim3A_241 = arith.constant 6 : i32
      %broadcast_in_dim3A_242 = vector.broadcast %broadcast_in_dim3A_241 : i32 to vector<16xi32>
      %add3A_243 = arith.constant 6 : i32
      %add3A_244 = vector.broadcast %add3A_243 : i32 to vector<16xi32>
      %add3A_245 = arith.addi %mul3A_23, %add3A_244 : vector<16xi32>
      tpu.vector_store_idx %arg7[%add3A_245], %mul3A_240 : memref<8192xf32, #tpu.memory_space<vmem>>[vector<16xi32>], vector<16xf32>,
      %gt3A_246 = arith.cmpf ogt, %mul3A_240, %select_n3A_238 : vector<16xf32>
      %gt3A_247 = arith.cmpf ogt, %mul3A_240, %select_n3A_235 : vector<16xf32>
      %select_n3A_248 = arith.select %gt3A_247, %mul3A_240, %select_n3A_235 : vector<16xi1>, vector<16xf32>
      %select_n3A_249 = arith.select %gt3A_246, %select_n3A_238, %select_n3A_248 : vector<16xi1>, vector<16xf32>
      %select_n3A_250 = arith.select %gt3A_247, %broadcast_in_dim3A_242, %select_n3A_237 : vector<16xi1>, vector<16xi32>
      %select_n3A_251 = arith.select %gt3A_246, %select_n3A_239, %select_n3A_250 : vector<16xi1>, vector<16xi32>
      %select_n3A_252 = arith.select %gt3A_246, %mul3A_240, %select_n3A_238 : vector<16xi1>, vector<16xf32>
      %select_n3A_253 = arith.select %gt3A_246, %broadcast_in_dim3A_242, %select_n3A_239 : vector<16xi1>, vector<16xi32>
      %mul3A_254 = arith.mulf %exp3A_117, %div3A_150 : vector<16xf32>
      %broadcast_in_dim3A_255 = arith.constant 7 : i32
      %broadcast_in_dim3A_256 = vector.broadcast %broadcast_in_dim3A_255 : i32 to vector<16xi32>
      %add3A_257 = arith.constant 7 : i32
      %add3A_258 = vector.broadcast %add3A_257 : i32 to vector<16xi32>
      %add3A_259 = arith.addi %mul3A_23, %add3A_258 : vector<16xi32>
      tpu.vector_store_idx %arg7[%add3A_259], %mul3A_254 : memref<8192xf32, #tpu.memory_space<vmem>>[vector<16xi32>], vector<16xf32>,
      %gt3A_260 = arith.cmpf ogt, %mul3A_254, %select_n3A_252 : vector<16xf32>
      %gt3A_261 = arith.cmpf ogt, %mul3A_254, %select_n3A_249 : vector<16xf32>
      %select_n3A_262 = arith.select %gt3A_261, %mul3A_254, %select_n3A_249 : vector<16xi1>, vector<16xf32>
      %select_n3A_263 = arith.select %gt3A_260, %select_n3A_252, %select_n3A_262 : vector<16xi1>, vector<16xf32>
      %select_n3A_264 = arith.select %gt3A_261, %broadcast_in_dim3A_256, %select_n3A_251 : vector<16xi1>, vector<16xi32>
      %select_n3A_265 = arith.select %gt3A_260, %select_n3A_253, %select_n3A_264 : vector<16xi1>, vector<16xi32>
      %select_n3A_266 = arith.select %gt3A_260, %mul3A_254, %select_n3A_252 : vector<16xi1>, vector<16xf32>
      %select_n3A_267 = arith.select %gt3A_260, %broadcast_in_dim3A_256, %select_n3A_253 : vector<16xi1>, vector<16xi32>
      %mul3A_268 = arith.mulf %exp3A_119, %div3A_150 : vector<16xf32>
      %broadcast_in_dim3A_269 = arith.constant 8 : i32
      %broadcast_in_dim3A_270 = vector.broadcast %broadcast_in_dim3A_269 : i32 to vector<16xi32>
      %add3A_271 = arith.constant 8 : i32
      %add3A_272 = vector.broadcast %add3A_271 : i32 to vector<16xi32>
      %add3A_273 = arith.addi %mul3A_23, %add3A_272 : vector<16xi32>
      tpu.vector_store_idx %arg7[%add3A_273], %mul3A_268 : memref<8192xf32, #tpu.memory_space<vmem>>[vector<16xi32>], vector<16xf32>,
      %gt3A_274 = arith.cmpf ogt, %mul3A_268, %select_n3A_266 : vector<16xf32>
      %gt3A_275 = arith.cmpf ogt, %mul3A_268, %select_n3A_263 : vector<16xf32>
      %select_n3A_276 = arith.select %gt3A_275, %mul3A_268, %select_n3A_263 : vector<16xi1>, vector<16xf32>
      %select_n3A_277 = arith.select %gt3A_274, %select_n3A_266, %select_n3A_276 : vector<16xi1>, vector<16xf32>
      %select_n3A_278 = arith.select %gt3A_275, %broadcast_in_dim3A_270, %select_n3A_265 : vector<16xi1>, vector<16xi32>
      %select_n3A_279 = arith.select %gt3A_274, %select_n3A_267, %select_n3A_278 : vector<16xi1>, vector<16xi32>
      %select_n3A_280 = arith.select %gt3A_274, %mul3A_268, %select_n3A_266 : vector<16xi1>, vector<16xf32>
      %select_n3A_281 = arith.select %gt3A_274, %broadcast_in_dim3A_270, %select_n3A_267 : vector<16xi1>, vector<16xi32>
      %mul3A_282 = arith.mulf %exp3A_121, %div3A_150 : vector<16xf32>
      %broadcast_in_dim3A_283 = arith.constant 9 : i32
      %broadcast_in_dim3A_284 = vector.broadcast %broadcast_in_dim3A_283 : i32 to vector<16xi32>
      %add3A_285 = arith.constant 9 : i32
      %add3A_286 = vector.broadcast %add3A_285 : i32 to vector<16xi32>
      %add3A_287 = arith.addi %mul3A_23, %add3A_286 : vector<16xi32>
      tpu.vector_store_idx %arg7[%add3A_287], %mul3A_282 : memref<8192xf32, #tpu.memory_space<vmem>>[vector<16xi32>], vector<16xf32>,
      %gt3A_288 = arith.cmpf ogt, %mul3A_282, %select_n3A_280 : vector<16xf32>
      %gt3A_289 = arith.cmpf ogt, %mul3A_282, %select_n3A_277 : vector<16xf32>
      %select_n3A_290 = arith.select %gt3A_289, %mul3A_282, %select_n3A_277 : vector<16xi1>, vector<16xf32>
      %select_n3A_291 = arith.select %gt3A_288, %select_n3A_280, %select_n3A_290 : vector<16xi1>, vector<16xf32>
      %select_n3A_292 = arith.select %gt3A_289, %broadcast_in_dim3A_284, %select_n3A_279 : vector<16xi1>, vector<16xi32>
      %select_n3A_293 = arith.select %gt3A_288, %select_n3A_281, %select_n3A_292 : vector<16xi1>, vector<16xi32>
      %select_n3A_294 = arith.select %gt3A_288, %mul3A_282, %select_n3A_280 : vector<16xi1>, vector<16xf32>
      %select_n3A_295 = arith.select %gt3A_288, %broadcast_in_dim3A_284, %select_n3A_281 : vector<16xi1>, vector<16xi32>
      %mul3A_296 = arith.mulf %exp3A_123, %div3A_150 : vector<16xf32>
      %broadcast_in_dim3A_297 = arith.constant 10 : i32
      %broadcast_in_dim3A_298 = vector.broadcast %broadcast_in_dim3A_297 : i32 to vector<16xi32>
      %add3A_299 = arith.constant 10 : i32
      %add3A_300 = vector.broadcast %add3A_299 : i32 to vector<16xi32>
      %add3A_301 = arith.addi %mul3A_23, %add3A_300 : vector<16xi32>
      tpu.vector_store_idx %arg7[%add3A_301], %mul3A_296 : memref<8192xf32, #tpu.memory_space<vmem>>[vector<16xi32>], vector<16xf32>,
      %gt3A_302 = arith.cmpf ogt, %mul3A_296, %select_n3A_294 : vector<16xf32>
      %gt3A_303 = arith.cmpf ogt, %mul3A_296, %select_n3A_291 : vector<16xf32>
      %select_n3A_304 = arith.select %gt3A_303, %mul3A_296, %select_n3A_291 : vector<16xi1>, vector<16xf32>
      %select_n3A_305 = arith.select %gt3A_302, %select_n3A_294, %select_n3A_304 : vector<16xi1>, vector<16xf32>
      %select_n3A_306 = arith.select %gt3A_303, %broadcast_in_dim3A_298, %select_n3A_293 : vector<16xi1>, vector<16xi32>
      %select_n3A_307 = arith.select %gt3A_302, %select_n3A_295, %select_n3A_306 : vector<16xi1>, vector<16xi32>
      %select_n3A_308 = arith.select %gt3A_302, %mul3A_296, %select_n3A_294 : vector<16xi1>, vector<16xf32>
      %select_n3A_309 = arith.select %gt3A_302, %broadcast_in_dim3A_298, %select_n3A_295 : vector<16xi1>, vector<16xi32>
      %mul3A_310 = arith.mulf %exp3A_125, %div3A_150 : vector<16xf32>
      %broadcast_in_dim3A_311 = arith.constant 11 : i32
      %broadcast_in_dim3A_312 = vector.broadcast %broadcast_in_dim3A_311 : i32 to vector<16xi32>
      %add3A_313 = arith.constant 11 : i32
      %add3A_314 = vector.broadcast %add3A_313 : i32 to vector<16xi32>
      %add3A_315 = arith.addi %mul3A_23, %add3A_314 : vector<16xi32>
      tpu.vector_store_idx %arg7[%add3A_315], %mul3A_310 : memref<8192xf32, #tpu.memory_space<vmem>>[vector<16xi32>], vector<16xf32>,
      %gt3A_316 = arith.cmpf ogt, %mul3A_310, %select_n3A_308 : vector<16xf32>
      %gt3A_317 = arith.cmpf ogt, %mul3A_310, %select_n3A_305 : vector<16xf32>
      %select_n3A_318 = arith.select %gt3A_317, %mul3A_310, %select_n3A_305 : vector<16xi1>, vector<16xf32>
      %select_n3A_319 = arith.select %gt3A_316, %select_n3A_308, %select_n3A_318 : vector<16xi1>, vector<16xf32>
      %select_n3A_320 = arith.select %gt3A_317, %broadcast_in_dim3A_312, %select_n3A_307 : vector<16xi1>, vector<16xi32>
      %select_n3A_321 = arith.select %gt3A_316, %select_n3A_309, %select_n3A_320 : vector<16xi1>, vector<16xi32>
      %select_n3A_322 = arith.select %gt3A_316, %mul3A_310, %select_n3A_308 : vector<16xi1>, vector<16xf32>
      %select_n3A_323 = arith.select %gt3A_316, %broadcast_in_dim3A_312, %select_n3A_309 : vector<16xi1>, vector<16xi32>
      %mul3A_324 = arith.mulf %exp3A_127, %div3A_150 : vector<16xf32>
      %broadcast_in_dim3A_325 = arith.constant 12 : i32
      %broadcast_in_dim3A_326 = vector.broadcast %broadcast_in_dim3A_325 : i32 to vector<16xi32>
      %add3A_327 = arith.constant 12 : i32
      %add3A_328 = vector.broadcast %add3A_327 : i32 to vector<16xi32>
      %add3A_329 = arith.addi %mul3A_23, %add3A_328 : vector<16xi32>
      tpu.vector_store_idx %arg7[%add3A_329], %mul3A_324 : memref<8192xf32, #tpu.memory_space<vmem>>[vector<16xi32>], vector<16xf32>,
      %gt3A_330 = arith.cmpf ogt, %mul3A_324, %select_n3A_322 : vector<16xf32>
      %gt3A_331 = arith.cmpf ogt, %mul3A_324, %select_n3A_319 : vector<16xf32>
      %select_n3A_332 = arith.select %gt3A_331, %mul3A_324, %select_n3A_319 : vector<16xi1>, vector<16xf32>
      %select_n3A_333 = arith.select %gt3A_330, %select_n3A_322, %select_n3A_332 : vector<16xi1>, vector<16xf32>
      %select_n3A_334 = arith.select %gt3A_331, %broadcast_in_dim3A_326, %select_n3A_321 : vector<16xi1>, vector<16xi32>
      %select_n3A_335 = arith.select %gt3A_330, %select_n3A_323, %select_n3A_334 : vector<16xi1>, vector<16xi32>
      %select_n3A_336 = arith.select %gt3A_330, %mul3A_324, %select_n3A_322 : vector<16xi1>, vector<16xf32>
      %select_n3A_337 = arith.select %gt3A_330, %broadcast_in_dim3A_326, %select_n3A_323 : vector<16xi1>, vector<16xi32>
      %mul3A_338 = arith.mulf %exp3A_129, %div3A_150 : vector<16xf32>
      %broadcast_in_dim3A_339 = arith.constant 13 : i32
      %broadcast_in_dim3A_340 = vector.broadcast %broadcast_in_dim3A_339 : i32 to vector<16xi32>
      %add3A_341 = arith.constant 13 : i32
      %add3A_342 = vector.broadcast %add3A_341 : i32 to vector<16xi32>
      %add3A_343 = arith.addi %mul3A_23, %add3A_342 : vector<16xi32>
      tpu.vector_store_idx %arg7[%add3A_343], %mul3A_338 : memref<8192xf32, #tpu.memory_space<vmem>>[vector<16xi32>], vector<16xf32>,
      %gt3A_344 = arith.cmpf ogt, %mul3A_338, %select_n3A_336 : vector<16xf32>
      %gt3A_345 = arith.cmpf ogt, %mul3A_338, %select_n3A_333 : vector<16xf32>
      %select_n3A_346 = arith.select %gt3A_345, %mul3A_338, %select_n3A_333 : vector<16xi1>, vector<16xf32>
      %select_n3A_347 = arith.select %gt3A_344, %select_n3A_336, %select_n3A_346 : vector<16xi1>, vector<16xf32>
      %select_n3A_348 = arith.select %gt3A_345, %broadcast_in_dim3A_340, %select_n3A_335 : vector<16xi1>, vector<16xi32>
      %select_n3A_349 = arith.select %gt3A_344, %select_n3A_337, %select_n3A_348 : vector<16xi1>, vector<16xi32>
      %select_n3A_350 = arith.select %gt3A_344, %mul3A_338, %select_n3A_336 : vector<16xi1>, vector<16xf32>
      %select_n3A_351 = arith.select %gt3A_344, %broadcast_in_dim3A_340, %select_n3A_337 : vector<16xi1>, vector<16xi32>
      %mul3A_352 = arith.mulf %exp3A_131, %div3A_150 : vector<16xf32>
      %broadcast_in_dim3A_353 = arith.constant 14 : i32
      %broadcast_in_dim3A_354 = vector.broadcast %broadcast_in_dim3A_353 : i32 to vector<16xi32>
      %add3A_355 = arith.constant 14 : i32
      %add3A_356 = vector.broadcast %add3A_355 : i32 to vector<16xi32>
      %add3A_357 = arith.addi %mul3A_23, %add3A_356 : vector<16xi32>
      tpu.vector_store_idx %arg7[%add3A_357], %mul3A_352 : memref<8192xf32, #tpu.memory_space<vmem>>[vector<16xi32>], vector<16xf32>,
      %gt3A_358 = arith.cmpf ogt, %mul3A_352, %select_n3A_350 : vector<16xf32>
      %gt3A_359 = arith.cmpf ogt, %mul3A_352, %select_n3A_347 : vector<16xf32>
      %select_n3A_360 = arith.select %gt3A_359, %mul3A_352, %select_n3A_347 : vector<16xi1>, vector<16xf32>
      %select_n3A_361 = arith.select %gt3A_358, %select_n3A_350, %select_n3A_360 : vector<16xi1>, vector<16xf32>
      %select_n3A_362 = arith.select %gt3A_359, %broadcast_in_dim3A_354, %select_n3A_349 : vector<16xi1>, vector<16xi32>
      %select_n3A_363 = arith.select %gt3A_358, %select_n3A_351, %select_n3A_362 : vector<16xi1>, vector<16xi32>
      %select_n3A_364 = arith.select %gt3A_358, %mul3A_352, %select_n3A_350 : vector<16xi1>, vector<16xf32>
      %select_n3A_365 = arith.select %gt3A_358, %broadcast_in_dim3A_354, %select_n3A_351 : vector<16xi1>, vector<16xi32>
      %mul3A_366 = arith.mulf %exp3A_133, %div3A_150 : vector<16xf32>
      %broadcast_in_dim3A_367 = arith.constant 15 : i32
      %broadcast_in_dim3A_368 = vector.broadcast %broadcast_in_dim3A_367 : i32 to vector<16xi32>
      %add3A_369 = arith.constant 15 : i32
      %add3A_370 = vector.broadcast %add3A_369 : i32 to vector<16xi32>
      %add3A_371 = arith.addi %mul3A_23, %add3A_370 : vector<16xi32>
      tpu.vector_store_idx %arg7[%add3A_371], %mul3A_366 : memref<8192xf32, #tpu.memory_space<vmem>>[vector<16xi32>], vector<16xf32>,
      %gt3A_372 = arith.cmpf ogt, %mul3A_366, %select_n3A_364 : vector<16xf32>
      %gt3A_373 = arith.cmpf ogt, %mul3A_366, %select_n3A_361 : vector<16xf32>
      %select_n3A_374 = arith.select %gt3A_373, %mul3A_366, %select_n3A_361 : vector<16xi1>, vector<16xf32>
      %select_n3A_375 = arith.select %gt3A_372, %select_n3A_364, %select_n3A_374 : vector<16xi1>, vector<16xf32>
      %select_n3A_376 = arith.select %gt3A_373, %broadcast_in_dim3A_368, %select_n3A_363 : vector<16xi1>, vector<16xi32>
      %select_n3A_377 = arith.select %gt3A_372, %select_n3A_365, %select_n3A_376 : vector<16xi1>, vector<16xi32>
      %select_n3A_378 = arith.select %gt3A_372, %mul3A_366, %select_n3A_364 : vector<16xi1>, vector<16xf32>
      %select_n3A_379 = arith.select %gt3A_372, %broadcast_in_dim3A_368, %select_n3A_365 : vector<16xi1>, vector<16xi32>
      tpu.vector_store_idx %arg8[%mul3A_26], %select_n3A_378 : memref<1024xf32, #tpu.memory_space<vmem>>[vector<16xi32>], vector<16xf32>,
      %add3A_380 = arith.constant 1 : i32
      %add3A_381 = vector.broadcast %add3A_380 : i32 to vector<16xi32>
      %add3A_382 = arith.addi %mul3A_26, %add3A_381 : vector<16xi32>
      tpu.vector_store_idx %arg8[%add3A_382], %select_n3A_375 : memref<1024xf32, #tpu.memory_space<vmem>>[vector<16xi32>], vector<16xf32>,
      tpu.vector_store_idx %arg9[%mul3A_26], %select_n3A_379 : memref<1024xi32, #tpu.memory_space<vmem>>[vector<16xi32>], vector<16xi32>,
      %add3A_383 = arith.constant 1 : i32
      %add3A_384 = vector.broadcast %add3A_383 : i32 to vector<16xi32>
      %add3A_385 = arith.addi %mul3A_26, %add3A_384 : vector<16xi32>
      tpu.vector_store_idx %arg9[%add3A_385], %select_n3A_377 : memref<1024xi32, #tpu.memory_space<vmem>>[vector<16xi32>], vector<16xi32>,
    }
    %scan3A_9 = arith.constant 32 : i32
    %mul3A_10 = arith.constant 16 : i32
    %mul3A_11 = arith.muli %mul3A_2, %mul3A_10 : i32
    "tpu.region"() ({
      %run_scoped3A = tpu.sem_alloc : memref<!tpu.dma_semaphore, #tpu.memory_space<semaphore_mem>>
      %dma_start3A = tpu.memref_slice %arg3[%mul3A_11] : memref<262144xf32, #tpu.memory_space<hbm>> -> memref<8192xf32, #tpu.memory_space<hbm>>
      %dma_start3A_16 = tpu.memref_slice %arg3[%mul3A_11] : memref<262144xf32, #tpu.memory_space<hbm>> -> memref<8192xf32, #tpu.memory_space<hbm>>
      tpu.enqueue_dma source(%arg7 : memref<8192xf32, #tpu.memory_space<vmem>>) target(%dma_start3A_16 : memref<8192xf32, #tpu.memory_space<hbm>>) target_semaphore(%run_scoped3A : memref<!tpu.dma_semaphore, #tpu.memory_space<semaphore_mem>>)
      %dma_wait3A = tpu.memref_slice %arg3[%mul3A_11] : memref<262144xf32, #tpu.memory_space<hbm>> -> memref<8192xf32, #tpu.memory_space<hbm>>
      %dma_wait3A_17 = tpu.memref_slice %arg3[%mul3A_11] : memref<262144xf32, #tpu.memory_space<hbm>> -> memref<8192xf32, #tpu.memory_space<hbm>>
      tpu.wait_dma2 semaphore(%run_scoped3A : memref<!tpu.dma_semaphore, #tpu.memory_space<semaphore_mem>>) src(%arg7 : memref<8192xf32, #tpu.memory_space<vmem>>) dst(%dma_wait3A_17 : memref<8192xf32, #tpu.memory_space<hbm>>)
      tpu.yield
    }) : () -> ()
    %mul3A_12 = arith.constant 2 : i32
    %mul3A_13 = arith.muli %mul3A_2, %mul3A_12 : i32
    "tpu.region"() ({
      %run_scoped3A = tpu.sem_alloc : memref<!tpu.dma_semaphore, #tpu.memory_space<semaphore_mem>>
      %dma_start3A = tpu.memref_slice %arg4[%mul3A_13] : memref<32768xf32, #tpu.memory_space<hbm>> -> memref<1024xf32, #tpu.memory_space<hbm>>
      %dma_start3A_16 = tpu.memref_slice %arg4[%mul3A_13] : memref<32768xf32, #tpu.memory_space<hbm>> -> memref<1024xf32, #tpu.memory_space<hbm>>
      tpu.enqueue_dma source(%arg8 : memref<1024xf32, #tpu.memory_space<vmem>>) target(%dma_start3A_16 : memref<1024xf32, #tpu.memory_space<hbm>>) target_semaphore(%run_scoped3A : memref<!tpu.dma_semaphore, #tpu.memory_space<semaphore_mem>>)
      %dma_wait3A = tpu.memref_slice %arg4[%mul3A_13] : memref<32768xf32, #tpu.memory_space<hbm>> -> memref<1024xf32, #tpu.memory_space<hbm>>
      %dma_wait3A_17 = tpu.memref_slice %arg4[%mul3A_13] : memref<32768xf32, #tpu.memory_space<hbm>> -> memref<1024xf32, #tpu.memory_space<hbm>>
      tpu.wait_dma2 semaphore(%run_scoped3A : memref<!tpu.dma_semaphore, #tpu.memory_space<semaphore_mem>>) src(%arg8 : memref<1024xf32, #tpu.memory_space<vmem>>) dst(%dma_wait3A_17 : memref<1024xf32, #tpu.memory_space<hbm>>)
      tpu.yield
    }) : () -> ()
    %mul3A_14 = arith.constant 2 : i32
    %mul3A_15 = arith.muli %mul3A_2, %mul3A_14 : i32
    "tpu.region"() ({
      %run_scoped3A = tpu.sem_alloc : memref<!tpu.dma_semaphore, #tpu.memory_space<semaphore_mem>>
      %dma_start3A = tpu.memref_slice %arg5[%mul3A_15] : memref<32768xi32, #tpu.memory_space<hbm>> -> memref<1024xi32, #tpu.memory_space<hbm>>
      %dma_start3A_16 = tpu.memref_slice %arg5[%mul3A_15] : memref<32768xi32, #tpu.memory_space<hbm>> -> memref<1024xi32, #tpu.memory_space<hbm>>
      tpu.enqueue_dma source(%arg9 : memref<1024xi32, #tpu.memory_space<vmem>>) target(%dma_start3A_16 : memref<1024xi32, #tpu.memory_space<hbm>>) target_semaphore(%run_scoped3A : memref<!tpu.dma_semaphore, #tpu.memory_space<semaphore_mem>>)
      %dma_wait3A = tpu.memref_slice %arg5[%mul3A_15] : memref<32768xi32, #tpu.memory_space<hbm>> -> memref<1024xi32, #tpu.memory_space<hbm>>
      %dma_wait3A_17 = tpu.memref_slice %arg5[%mul3A_15] : memref<32768xi32, #tpu.memory_space<hbm>> -> memref<1024xi32, #tpu.memory_space<hbm>>
      tpu.wait_dma2 semaphore(%run_scoped3A : memref<!tpu.dma_semaphore, #tpu.memory_space<semaphore_mem>>) src(%arg9 : memref<1024xi32, #tpu.memory_space<vmem>>) dst(%dma_wait3A_17 : memref<1024xi32, #tpu.memory_space<hbm>>)
      tpu.yield
    }) : () -> ()
    return
  }
}

module attributes {stable_mosaic.version = 14 : i64} {
  func.func @_mm_block(%arg0: i32, %arg1: memref<1024x2048xf32, #tpu.memory_space<vmem>>, %arg2: memref<16x2048xf32, #tpu.memory_space<vmem>>, %arg3: memref<1024x16xf32, #tpu.memory_space<vmem>>) attributes {dimension_semantics = [#tpu.dimension_semantics<arbitrary>], iteration_bounds = array<i64: 16>, scalar_prefetch = 0 : i64, scratch_operands = 0 : i64, tpu.core_type = #tpu.core_type<tc>, window_params = [{transform_indices = @transform_0, window_bounds = array<i64: 1024, 2048>}, {pipeline_mode = #tpu.pipeline_mode<synchronous>, transform_indices = @transform_1, window_bounds = array<i64: 16, 2048>}, {transform_indices = @transform_2, window_bounds = array<i64: 1024, 16>}]} {
    %get3A = arith.constant 0 : index
    %get3A_0 = arith.constant 0 : index
    %get3A_1 = vector.load %arg1[%get3A, %get3A_0] : memref<1024x2048xf32, #tpu.memory_space<vmem>>, vector<1024x2048xf32>
    %get3A_2 = arith.constant 0 : index
    %get3A_3 = arith.constant 0 : index
    %get3A_4 = vector.load %arg2[%get3A_2, %get3A_3] : memref<16x2048xf32, #tpu.memory_space<vmem>>, vector<16x2048xf32>
    %dot_general3A = arith.constant dense<0.000000e+00> : vector<1024x16xf32>
    %dot_general3A_5 = tpu.matmul %get3A_1, %get3A_4, %dot_general3A {dimension_numbers = #tpu.dot_dimension_numbers<[1], [1], [0], [0], [0, 0, 1, 0], [], []>, transpose_lhs_hint = false} : vector<1024x2048xf32>, vector<16x2048xf32>, vector<1024x16xf32> -> vector<1024x16xf32>
    %swap3A = arith.constant 0 : index
    %swap3A_6 = arith.constant 0 : index
    %swap3A_7 = vector.load %arg3[%swap3A, %swap3A_6] : memref<1024x16xf32, #tpu.memory_space<vmem>>, vector<1024x16xf32>
    tpu.vector_store %arg3[%swap3A, %swap3A_6], %dot_general3A_5 {strides = array<i32>} : memref<1024x16xf32, #tpu.memory_space<vmem>>, vector<1024x16xf32>,
    return
  }
  func.func @transform_0(%arg0: i32) -> (i32, i32) {
    %c0_i32 = arith.constant 0 : i32
    %c0_i32_0 = arith.constant 0 : i32
    return %arg0, %c0_i32 : i32, i32
  }
  func.func @transform_1(%arg0: i32) -> (i32, i32) {
    %c0_i32 = arith.constant 0 : i32
    %c0_i32_0 = arith.constant 0 : i32
    %c0_i32_1 = arith.constant 0 : i32
    return %c0_i32, %c0_i32_0 : i32, i32
  }
  func.func @transform_2(%arg0: i32) -> (i32, i32) {
    %c0_i32 = arith.constant 0 : i32
    %c0_i32_0 = arith.constant 0 : i32
    return %arg0, %c0_i32 : i32, i32
  }
}

</mosaic_0001>

<sc_bundles>
// kernel: kernel.4.cloned.1.call-start
scs
__scs_entry_jumppad:
0x0: {  	(pc) =	sbr.rel $0x88, $3  }
0x1: {  	(tag) =	ssettag $0x0;
	lr =	simm.s32 $0x1  }
0x2: {  	[smem:$0x3F9F] =	sst lr;
	_ =	strace $0xD0000000  }
0x3: {  	_ = 	snop  }
0x4: {  	_ = 	snop  }
0x5: {  	_ = 	snop  }
0x6: {  	_ = 	snop  }
0x7: {  	_ = 	snop  }
__scs_overlays_trampoline_lowered:
0x8: {  	[smem:$0x3FAE] =	sst s0  }
0x9: {  	[smem:$0x3FAF] =	sst s1  }
0xa: {  	[smem:$0x3FB0] =	sst s2  }
0xb: {  	[smem:$0x3FB1] =	sst s3  }
0xc: {  	[smem:$0x3FB2] =	sst s4  }
0xd: {  	[smem:$0x3FB3] =	sst s5  }
0xe: {  	[smem:$0x3FB4] =	sst s6  }
0xf: {  	[smem:$0x3FB5] =	sst s7  }
0x10: {  	[smem:$0x3FB6] =	sst s8  }
0x11: {  	[smem:$0x3FB7] =	sst s9;
	s0 =	simm.s32 @!p0 $0x0  }
0x12: {  	s1 =	sld [smem:$0x3F9D];
	s0 =	simm.s32 @p0 $0x1  }
0x13: {  	[smem:$0x3FB8] =	sst s0;
	s0 =	simm.s32 @!p1 $0x0  }
0x14: {  	s2 =	sld [smem:$0x3F9C];
	s0 =	simm.s32 @p1 $0x1  }
0x15: {  	[smem:$0x3FB9] =	sst s0;
	s0 =	simm.s32 @!p2 $0x0  }
0x16: {  	s3 =	sld [smem:$0x3FDB];
	s0 =	simm.s32 @p2 $0x1  }
0x17: {  	s4 =	simm.s32 $0x1BF5;
	[smem:$0x3FBB] =	sst s0  }
0x18: {  	s0 =	sld [smem:$0x3F9E];
	_ =	swait.ge [sflag:s4], $0x0  }
0x19: {  	s7 =	sld [smem:$0x3F9F]  }
0x1a: {  	s8 =	sadd.s32 $0xFFFFE003, lr  }
0x1b: {  	s9 =	sadd.s32 $0xFFFFFEF7, lr;
	s5 =	simm.s32 $0xFFFFFFFF;
	p2 =	slt.u32 s8, $0xFFFFF086  }
0x1c: {  	p1 =	slt.u32 s9, $0xF7A;
	s5 =	simm.s32 @!p2 $0x0  }
0x1d: {  	s5 =	simm.s32 @p1 $0x1;
	p0 =	seq.s32 s7, s2  }
0x1e: {  	s7 =	smul.u32 @!p0 $0xF7A, s2;
	p2 =	seq.s32 @!p0 s5, $0x0  }
0x1f: {  	s9 =	smul.u32 $0xF7A, s1;
	s8 =	simm.s32 @!p0 $0x1BF5;
	p2 =	por !p2, p0  }
0x20: {  	[sflag:s8] =	ssyncset.s32 @!p0 $0xFFFFF086;
	s6 =	sadd.s32 @!p0 s3, s7;
	s7 =	simm.s32 @!p0 $0x108  }
0x21: {  	s3 =	sadd.s32 s3, s9;
	s6 =	sadd.s32 @!p0 $0x88, s6;
	s7 =	simm.s32 @p2 $0x1082  }
0x22: {  	[simem:s7], [sflag:s8] =	dma.local @!p0 [hbm:s6], $0xF7A  }
0x23: {  	s9 =	sor.u32 $0xD0000000, s2;
	s6 =	simm.s32 $0x108;
	_ =	swait.ge @!p0 [sflag:s8], $0x0  }
0x24: {  	s3 =	sadd.s32 $0x88, s3;
	s6 =	simm.s32 @!p1 $0x1082;
	[sflag:s4] =	ssyncset.s32 $0xFFFFF086  }
0x25: {  	[simem:s6], [sflag:s4] =	dma.local [hbm:s3], $0xF7A  }
0x26: {  	[smem:$0x3F9F] =	sst s1;
	(tag) =	ssettag s2;
	_ =	strace s9  }
0x27: {  	s1 =	sld [smem:$0x3FAF]  }
0x28: {  	s2 =	sld [smem:$0x3FB0]  }
0x29: {  	s4 =	sld [smem:$0x3FB2]  }
0x2a: {  	p0 =	seq.s32 s5, $0x0;
	s5 =	sld [smem:$0x3FB3]  }
0x2b: {  	s6 =	sld [smem:$0x3FB4]  }
0x2c: {  	s7 =	sld [smem:$0x3FB5]  }
0x2d: {  	s3 =	simm.s32 $0x108;
	s8 =	sld [smem:$0x3FB6]  }
0x2e: {  	s3 =	simm.s32 @!p0 $0x1082;
	s9 =	sld [smem:$0x3FB7]  }
0x2f: {  	lr =	sadd.s32 s0, s3;
	s0 =	sld [smem:$0x3FAE]  }
0x30: {  	s3 =	sld [smem:$0x3FB1]  }
0x31: {  	[smem:$0x3FBA] =	sst s10  }
0x32: {  	s10 =	sld [smem:$0x3FB8];
	_ =	sdelay $0x3  }
0x33: {  	p0 =	seq.s32 s10, $0x1;
	s10 =	sld [smem:$0x3FBA];
	_ =	sdelay $0x3  }
0x34: {  	[smem:$0x3FBA] =	sst s10  }
0x35: {  	s10 =	sld [smem:$0x3FB9];
	_ =	sdelay $0x3  }
0x36: {  	p1 =	seq.s32 s10, $0x1;
	s10 =	sld [smem:$0x3FBA];
	_ =	sdelay $0x3  }
0x37: {  	[smem:$0x3FBA] =	sst s10  }
0x38: {  	s10 =	sld [smem:$0x3FBB]  }
0x39: {  	_ = 	snop;
	(pc) =	sbr.ind lr, $3  }
0x3a: {  	_ = 	snop  }
0x3b: {  	_ = 	snop  }
0x3c: {  	p2 =	seq.s32 s10, $0x1;
	s10 =	sld [smem:$0x3FBA]  }
0x3d: {  	_ =	shalt  }
0x3e: {  	_ =	shalt  }
0x3f: {  	_ =	shalt  }
0x40: {  	_ =	shalt  }
0x41: {  	_ =	shalt  }
0x42: {  	_ =	shalt  }
0x43: {  	_ =	shalt  }
0x44: {  	_ =	shalt  }
0x45: {  	_ =	shalt  }
0x46: {  	_ =	shalt  }
0x47: {  	_ =	shalt  }
0x48: {  	_ =	shalt  }
0x49: {  	_ =	shalt  }
0x4a: {  	_ =	shalt  }
0x4b: {  	_ =	shalt  }
0x4c: {  	_ =	shalt  }
0x4d: {  	_ =	shalt  }
0x4e: {  	_ =	shalt  }
0x4f: {  	_ =	shalt  }
0x50: {  	_ =	shalt  }
0x51: {  	_ =	shalt  }
0x52: {  	_ =	shalt  }
0x53: {  	_ =	shalt  }
0x54: {  	_ =	shalt  }
0x55: {  	_ =	shalt  }
0x56: {  	_ =	shalt  }
0x57: {  	_ =	shalt  }
0x58: {  	_ =	shalt  }
0x59: {  	_ =	shalt  }
0x5a: {  	_ =	shalt  }
0x5b: {  	_ =	shalt  }
0x5c: {  	_ =	shalt  }
0x5d: {  	_ =	shalt  }
0x5e: {  	_ =	shalt  }
0x5f: {  	_ =	shalt  }
0x60: {  	_ =	shalt  }
0x61: {  	_ =	shalt  }
0x62: {  	_ =	shalt  }
0x63: {  	_ =	shalt  }
0x64: {  	_ =	shalt  }
0x65: {  	_ =	shalt  }
0x66: {  	_ =	shalt  }
0x67: {  	_ =	shalt  }
0x68: {  	_ =	shalt  }
0x69: {  	_ =	shalt  }
0x6a: {  	_ =	shalt  }
0x6b: {  	_ =	shalt  }
0x6c: {  	_ =	shalt  }
0x6d: {  	_ =	shalt  }
0x6e: {  	_ =	shalt  }
0x6f: {  	_ =	shalt  }
0x70: {  	_ =	shalt  }
0x71: {  	_ =	shalt  }
0x72: {  	_ =	shalt  }
0x73: {  	_ =	shalt  }
0x74: {  	_ =	shalt  }
0x75: {  	_ =	shalt  }
0x76: {  	_ =	shalt  }
0x77: {  	_ =	shalt  }
0x78: {  	_ =	shalt  }
0x79: {  	_ =	shalt  }
0x7a: {  	_ =	shalt  }
0x7b: {  	_ =	shalt  }
0x7c: {  	_ =	shalt  }
0x7d: {  	_ =	shalt  }
0x7e: {  	_ =	shalt  }
0x7f: {  	_ =	shalt  }
0x80: {  	_ =	shalt  }
0x81: {  	_ =	shalt  }
0x82: {  	_ =	shalt  }
0x83: {  	_ =	shalt  }
0x84: {  	_ =	shalt  }
0x85: {  	_ =	shalt  }
0x86: {  	_ =	shalt  }
0x87: {  	_ =	shalt  }
.Lfunc_end0:
.L_simem_size_0:
called_computation_lowered:
.L_overlay_start_0:
0x88: {  	s2 =	sld [smem:$0x3FD9]  }
0x89: {  	s3 =	sld [smem:$0x3FFE];
	_ =	sdelay $0x1  }
0x8a: {  	s1 =	srdreg.scid  }
0x8b: {  	s0 =	sand.u32 $0x1, s1  }
0x8c: {  	s14 =	sshll.u32 s0, $0xA;
	s2 =	sadd.s32 s3, s2  }
0x8d: {  	s2 =	sadd.s32 s2, s14  }
0x8e: {  	[smem:$0x3FC6] =	sst s2  }
0x8f: {  	_ = 	snop  }
0x90: {  	s2 =	sld [smem:$0x3FD0];
	_ =	sdelay $0x2  }
0x91: {  	s15 =	simm.s32 $0xA;
	s4 =	simm.s32 $0x10  }
0x92: {  	[smem:s4], [sflag:s15] =	dma.local [hbm:s2], $0x1  }
0x93: {  	_ =	swait.eq [sflag:s15], $0x1  }
0x94: {  	[sflag:s15] =	ssyncset.done $0x0  }
0x95: {  	s16 =	sld [smem:$0x10];
	[sflag:s15] =	ssyncadd.s32 $0xFFFFFFFF  }
0x96: {  	s17 =	sld [smem:$0x12];
	(tm) =	ssettm $0x1  }
0x97: {  	s18 =	sld [smem:$0x3FFB];
	_ =	sdelay $0x3  }
0x98: {  	_ =	strace s18  }
0x99: {  	s4 =	sld [smem:$0x3FFC];
	_ =	sdelay $0x3  }
0x9a: {  	_ =	strace s4  }
0x9b: {  	s4 =	sld [smem:$0x3FFD];
	_ =	sdelay $0x3  }
0x9c: {  	_ =	strace s4  }
0x9d: {  	_ =	strace $0x8FFFFFFF  }
0x9e: {  	s19 =	sld [smem:$0x3FDB];
	_ =	sdelay $0x1  }
0x9f: {  	s5 =	simm.s32 $_scs_section_size  }
0xa0: {  	s6 =	simm.s32 $_size__tile_overlayer_lowered;
	s7 =	simm.s32 $_tile_overlayer_lowered  }
0xa1: {  	s22 =	simm.s32 $0x1BFF;
	s21 =	sshll.u32 s7, $0x1;
	s4 =	sadd.s32 s5, s19  }
0xa2: {  	s8 =	simm.s32 $0x0;
	s20 =	sshll.u32 s6, $0x1;
	s6 =	sadd.s32 s21, s4  }
0xa3: {  	[timem:s8], [sflag:s22] =	dma.local [hbm:s6], s20  }
0xa4: {  	_ =	swait.ge [sflag:s22], s20  }
0xa5: {  	s5 =	ssub.s32 $0x0, s20;
	[sflag:s22] =	ssyncset.done $0x0  }
0xa6: {  	[sflag:s22] =	ssyncadd.s32 s5;
	_ =	sdelay $0x1  }
0xa7: {  	s23 =	simm.s32 $0x1B8B  }
0xa8: {  	_ =	swait.ge [sflag:s23], $0x1  }
0xa9: {  	[sflag:s23] =	ssyncset.done $0x0  }
0xaa: {  	s25 =	simm.s32 $0x1B8E;
	s24 =	sld [smem:$0x3FFE];
	[sflag:s23] =	ssyncadd.s32 $0xFFFFFFFF  }
0xab: {  	s26 =	simm.s32 $execute0_lowered;
	[smem:$0x3FD2] =	sst s25  }
0xac: {  	s6 =	sshll.u32 s26, $0x1;
	_ =	strace $0x80000046;
	[dreg:$0x1] =	wrdreg $0xFFFFFFFF  }
0xad: {  	s28 =	simm.s32 $_size_execute0_lowered;
	s4 =	sadd.s32 s4, s6;
	[dreg:$0x0] =	wrdreg $0x0  }
0xae: {  	s6 =	sshll.u32 s28, $0x1;
	[dreg:$0x2] =	wrdreg s4  }
0xaf: {  	[dreg:$0x3] =	wrdreg s6  }
0xb0: {  	[dreg:$0x4] =	wrdreg $0xC0  }
0xb1: {  	_ =	task [dreg:s8], $0x5FFFF  }
0xb2: {  	[dreg:$0x1] =	wrdreg $0xFFFFFFFF  }
0xb3: {  	[dreg:$0x0] =	wrdreg $0x60  }
0xb4: {  	[dreg:$0x2] =	wrdreg s16  }
0xb5: {  	[dreg:$0x3] =	wrdreg s24  }
0xb6: {  	[dreg:$0x4] =	wrdreg s17  }
0xb7: {  	[dreg:$0x5] =	wrdreg $0x9  }
0xb8: {  	_ =	task.clear_ibuf [dreg:s8], $0x6FFFF;
	_ =	strace $0x90000046  }
0xb9: {  	s29 =	simm.s32 $0x9;
	_ =	strace $0x80000048  }
0xba: {  	_ =	swait.ge [sflag:s29], $0x1  }
0xbb: {  	[sflag:s29] =	ssyncadd.s32 $0xFFFFFFFF  }
0xbc: {  	_ =	strace $0x90000048  }
0xbd: {  	_ =	sfence  }
0xbe: {  	s30 =	sld [smem:$0x0];
	_ =	sdelay $0x2  }
0xbf: {  	s31 =	sshll.u32 s1, $0xD;
	s1 =	sshrl.u32 s1, $0x2  }
0xc0: {  	s3 =	sand.u32 $0x4000, s31;
	s1 =	sadd.s32 s1, s30  }
0xc1: {  	s0 =	sor.u32 s3, s0;
	s1 =	sshll.u32 s1, $0x11  }
0xc2: {  	s0 =	sor.u32 s1, s0  }
0xc3: {  	s0 =	sadd.s32 $0x8F2B, s0  }
0xc4: {  	[sflag:s0] =	ssyncadd.remote.s32 $0x1  }
0xc5: {  	_ =	sfence.sel $0xFFFF  }
0xc6: {  	[dreg:$0x0] =	wrdreg $0xFFFFFFFF;
	(pc) =	sbr.abs _section_cstart, $3  }
0xc7: {  	[dreg:$0x1] =	wrdreg $0xFFFFFFFF  }
0xc8: {  	_ =	task.clear_ibuf [dreg:s8], $0x2FFFF;
	_ =	strace $0x9FFFFFFF  }
0xc9: {  	(tm) =	ssettm $0x7FFFFFFF  }
tec
execute0_lowered:
.L_overlay_start_1:
0x0: {  	(tag) =	ssettag $0x1  }
0x1: {  	s3 =	rddreg [dreg:$0x0]  }
0x2: {  	s4 =	rddreg [dreg:$0x1]  }
0x3: {  	s5 =	rddreg [dreg:$0x2]  }
0x4: {  	s0 =	rddreg [dreg:$0x3];
	s6 =	srdreg.scid  }
0x5: {  	s1 =	stileid.u32;
	s2 =	simm.s32 $0x0;
	s12 =	simm.s32 $0x0  }
0x6: {  	s6 =	sand.u32 $0x1, s6;
	s7 =	sshll.u32 s1, $0x1;
	[smem:$0x7FF] =	sst s2  }
0x7: {  	s7 =	sor.u32 s6, s7;
	_ =	strace $0x80000047;
	s6 =	ssub.s32 $0x2, s6  }
0x8: {  	s8 =	sshll.u32 s7, $0xA;
	s7 =	sshll.u32 s7, $0x7;
	s10 =	sshrl.u32 s6, $0x1  }
0x9: {  	s9 =	sadd.s32 s8, s4;
	s11 =	sadd.s32 s7, s4;
	s10 =	ssub.s32 s6, s10  }
0xa: {  	s3 =	sadd.s32 s3, s8;
	s5 =	sadd.s32 s5, s7;
	s8 =	simm.s32 $0x1  }
0xb: {  	s4 =	sadd.s32 $0xE00, s9;
	s6 =	sadd.s32 $0x8E00, s11;
	s7 =	smax.u32 s10, $0x1  }
0xc: {  	v0 =	vlaneseq.u32;
	v1 =	vimm.s32 $0x0;
	s9 =	simm.s32 $0x2000;
	s10 =	simm.s32 $0x4000;
	s11 =	simm.s32 $0x4400  }
.LBB2_1:
0xd: {  	v2 =	vor.u32 s2, v0  }
0xe: {  	v18 =	vshll.u32 v2, $0x4  }
0xf: {  	[tilespmem:s2], [sflag:$0x1] =	stream.linear.gather [hbm4b:s3+s2], $0x2000, $0x38;
	v17 =	vor.u32 $0x1, v18;
	[tilespmem:$0x4800] =	vst v63  }
0x10: {  	_ =	swait.ge [sflag:s8], $0x2000;
	v16 =	vor.u32 $0x2, v18  }
0x11: {  	[sflag:s8] =	ssyncset.done $0x0;
	v15 =	vor.u32 $0x3, v18  }
0x12: {  	v14 =	vor.u32 $0x4, v18;
	[sflag:s8] =	ssyncadd.s32 $0xFFFFE000  }
0x13: {  	v13 =	vor.u32 $0x5, v18;
	v19 =	vld.idx.msk [tilespmem:v18+s2+$0x0], $0xffff  }
0x14: {  	v12 =	vor.u32 $0x6, v18;
	v20 =	vld.idx.msk [tilespmem:v17+s2+$0x0], $0xffff  }
0x15: {  	v11 =	vor.u32 $0x7, v18;
	v21 =	vld.idx.msk [tilespmem:v16+s2+$0x0], $0xffff  }
0x16: {  	v10 =	vor.u32 $0x8, v18;
	v22 =	vld.idx.msk [tilespmem:v15+s2+$0x0], $0xffff  }
0x17: {  	v9 =	vor.u32 $0x9, v18;
	v23 =	vld.idx.msk [tilespmem:v14+s2+$0x0], $0xffff  }
0x18: {  	v8 =	vor.u32 $0xA, v18;
	v24 =	vld.idx.msk [tilespmem:v13+s2+$0x0], $0xffff  }
0x19: {  	v7 =	vor.u32 $0xB, v18;
	v25 =	vld.idx.msk [tilespmem:v12+s2+$0x0], $0xffff;
	v3 =	vmax.f32 v19, v20  }
0x1a: {  	v6 =	vor.u32 $0xC, v18;
	v26 =	vld.idx.msk [tilespmem:v11+s2+$0x0], $0xffff;
	v3 =	vmax.f32 v3, v21  }
0x1b: {  	v5 =	vor.u32 $0xD, v18;
	v27 =	vld.idx.msk [tilespmem:v10+s2+$0x0], $0xffff;
	v3 =	vmax.f32 v3, v22  }
0x1c: {  	v4 =	vor.u32 $0xE, v18;
	v28 =	vld.idx.msk [tilespmem:v9+s2+$0x0], $0xffff;
	v29 =	vmax.f32 v3, v23  }
0x1d: {  	v30 =	vld.idx.msk [tilespmem:v8+s2+$0x0], $0xffff;
	v3 =	vor.u32 $0xF, v18;
	v29 =	vmax.f32 v29, v24  }
0x1e: {  	v31 =	vld.idx.msk [tilespmem:v7+s2+$0x0], $0xffff;
	v29 =	vmax.f32 v29, v25  }
0x1f: {  	v32 =	vld.idx.msk [tilespmem:v6+s2+$0x0], $0xffff;
	v29 =	vmax.f32 v29, v26  }
0x20: {  	v33 =	vld.idx.msk [tilespmem:v5+s2+$0x0], $0xffff;
	v29 =	vmax.f32 v29, v27  }
0x21: {  	v34 =	vld.idx.msk [tilespmem:v4+s2+$0x0], $0xffff;
	v29 =	vmax.f32 v29, v28  }
0x22: {  	v35 =	vld.idx.msk [tilespmem:v3+s2+$0x0], $0xffff;
	v29 =	vmax.f32 v29, v30  }
0x23: {  	v29 =	vmax.f32 v29, v31  }
0x24: {  	v29 =	vmax.f32 v29, v32  }
0x25: {  	v29 =	vmax.f32 v29, v33  }
0x26: {  	v29 =	vmax.f32 v29, v34  }
0x27: {  	v29 =	vmax.f32 v29, v35  }
0x28: {  	v19 =	vsub.f32 v19, v29  }
0x29: {  	v20 =	vsub.f32 v20, v29  }
0x2a: {  	v19 =	vmul.f32 $1.442695020e+00, v19  }
0x2b: {  	v21 =	vsub.f32 v21, v29;
	v20 =	vmul.f32 $1.442695020e+00, v20  }
0x2c: {  	(erf) = vpow2.f32 v19  }
0x2d: {  	v63 =	vsub.f32 v22, v29;
	v21 =	vmul.f32 $1.442695020e+00, v21;
	(erf) = vpow2.f32 v20;
	_ =	sdelay $0x1  }
0x2e: {  	v36 =	vsub.f32 v23, v29;
	v19 =	vmul.f32 $1.442695020e+00, v63;
	(erf) = vpow2.f32 v21;
	_ =	sdelay $0x1  }
0x2f: {  	v37 =	vsub.f32 v24, v29;
	v20 =	vmul.f32 $1.442695020e+00, v36;
	(erf) = vpow2.f32 v19;
	_ =	sdelay $0x1  }
0x30: {  	v38 =	vsub.f32 v25, v29;
	v21 =	vmul.f32 $1.442695020e+00, v37;
	(erf) = vpow2.f32 v20;
	_ =	sdelay $0x1  }
0x31: {  	v39 =	vsub.f32 v26, v29;
	v19 =	vmul.f32 $1.442695020e+00, v38;
	(erf) = vpow2.f32 v21;
	v40 =	vpop (erf)  }
0x32: {  	v41 =	vsub.f32 v27, v29;
	v42 =	vpop (erf)  }
0x33: {  	v20 =	vmul.f32 $1.442695020e+00, v39;
	(erf) = vpow2.f32 v19;
	v43 =	vadd.f32 v42, v40  }
0x34: {  	v44 =	vsub.f32 v28, v29;
	v45 =	vpop (erf)  }
0x35: {  	v22 =	vmul.f32 $1.442695020e+00, v41;
	(erf) = vpow2.f32 v20;
	v19 =	vadd.f32 v43, v45  }
0x36: {  	v46 =	vsub.f32 v30, v29;
	v47 =	vpop (erf)  }
0x37: {  	v24 =	vmul.f32 $1.442695020e+00, v44;
	(erf) = vpow2.f32 v22;
	v19 =	vadd.f32 v19, v47  }
0x38: {  	v48 =	vsub.f32 v31, v29;
	v49 =	vpop (erf)  }
0x39: {  	v20 =	vmul.f32 $1.442695020e+00, v46;
	(erf) = vpow2.f32 v24;
	v19 =	vadd.f32 v19, v49  }
0x3a: {  	v50 =	vsub.f32 v32, v29;
	v51 =	vpop (erf)  }
0x3b: {  	v22 =	vmul.f32 $1.442695020e+00, v48;
	(erf) = vpow2.f32 v20;
	v19 =	vadd.f32 v19, v51  }
0x3c: {  	v52 =	vsub.f32 v33, v29;
	v53 =	vpop (erf)  }
0x3d: {  	v24 =	vmul.f32 $1.442695020e+00, v50;
	(erf) = vpow2.f32 v22;
	v19 =	vadd.f32 v19, v53  }
0x3e: {  	v54 =	vsub.f32 v34, v29;
	v55 =	vpop (erf)  }
0x3f: {  	v20 =	vmul.f32 $1.442695020e+00, v52;
	(erf) = vpow2.f32 v24;
	v19 =	vadd.f32 v19, v55  }
0x40: {  	v56 =	vsub.f32 v35, v29;
	v57 =	vpop (erf)  }
0x41: {  	v22 =	vmul.f32 $1.442695020e+00, v54;
	(erf) = vpow2.f32 v20;
	v19 =	vadd.f32 v19, v57  }
0x42: {  	v58 =	vpop (erf)  }
0x43: {  	v24 =	vmul.f32 $1.442695020e+00, v56;
	(erf) = vpow2.f32 v22;
	v19 =	vadd.f32 v19, v58  }
0x44: {  	v59 =	vpop (erf)  }
0x45: {  	(erf) = vpow2.f32 v24;
	v19 =	vadd.f32 v19, v59  }
0x46: {  	v60 =	vpop (erf)  }
0x47: {  	v19 =	vadd.f32 v19, v60  }
0x48: {  	v61 =	vpop (erf)  }
0x49: {  	v19 =	vadd.f32 v19, v61  }
0x4a: {  	v62 =	vpop (erf)  }
0x4b: {  	v19 =	vadd.f32 v19, v62  }
0x4c: {  	v63 =	vpop (erf)  }
0x4d: {  	v19 =	vadd.f32 v19, v63  }
0x4e: {  	v41 =	vpop (erf)  }
0x4f: {  	v19 =	vadd.f32 v19, v41;
	_ =	sdelay $0x1  }
0x50: {  	(erf) = vrcp.f32 v19;
	_ =	sdelay $0x8  }
0x51: {  	v36 =	vpop (erf)  }
0x52: {  	v21 =	vmul.f32 v36, v40  }
0x53: {  	v23 =	vmul.f32 v36, v42;
	v42 =	vmul.f32 v36, v41  }
0x54: {  	v20 =	vmul.f32 v36, v58;
	v25 =	vmul.f32 v36, v45;
	vm0 =	vgt.f32 v21, $-Inf  }
0x55: {  	vm1 =	vgt.f32 v23, $-Inf;
	v43 =	vnsel vm0, $0xFF800000, v21;
	vm0 =	vlt.f32 v23, $-Inf  }
0x56: {  	v24 =	vmul.f32 v36, v60;
	vm2 =	vgt.f32 v23, v43;
	vm0 =	vmor vm1, vm0  }
0x57: {  	v26 =	vmul.f32 v36, v47;
	vm1 =	vmneg vm2;
	v37 =	vnsel vm0, $0xFF800000, v23  }
0x58: {  	v27 =	vmul.f32 v36, v49;
	v33 =	vmul.f32 v36, v62;
	v37 =	vsel vm1, v37, v43  }
0x59: {  	v28 =	vmul.f32 v36, v51;
	v35 =	vsel vm1, v43, v23;
	vm3 =	vgt.f32 v25, v37  }
0x5a: {  	vm0 =	vmand vm0, vm1;
	vm1 =	vgt.f32 v25, v35;
	v37 =	vsel vm3, v25, v37  }
0x5b: {  	v30 =	vmul.f32 v36, v53;
	v38 =	vsel vm1, v25, v35;
	v35 =	vsel vm1, v35, v37  }
0x5c: {  	v44 =	vsel vm2, $0x1, v1;
	v39 =	vsel vm0, $0x1, v1;
	vm0 =	vgt.f32 v26, v35  }
0x5d: {  	v39 =	vsel vm3, $0x2, v39;
	vm2 =	vgt.f32 v26, v38;
	v35 =	vsel vm0, v26, v35  }
0x5e: {  	v22 =	vmul.f32 v36, v59;
	v39 =	vsel vm1, v44, v39;
	v35 =	vsel vm2, v38, v35  }
0x5f: {  	v39 =	vsel vm0, $0x3, v39;
	v38 =	vsel vm2, v26, v38;
	vm0 =	vgt.f32 v27, v35  }
0x60: {  	v37 =	vsel vm1, $0x2, v44;
	vm1 =	vgt.f32 v27, v38;
	v35 =	vsel vm0, v27, v35  }
0x61: {  	v31 =	vmul.f32 v36, v55;
	v39 =	vsel vm2, v37, v39;
	v35 =	vsel vm1, v38, v35  }
0x62: {  	[tilespmem:v18+s9+$0x0] =	vst.idx.msk $0xffff, v21;
	v37 =	vsel vm2, $0x3, v37;
	v38 =	vsel vm1, v27, v38;
	vm2 =	vgt.f32 v28, v35  }
0x63: {  	[tilespmem:v17+s9+$0x0] =	vst.idx.msk $0xffff, v23;
	v39 =	vsel vm0, $0x4, v39;
	vm0 =	vgt.f32 v28, v38;
	v35 =	vsel vm2, v28, v35  }
0x64: {  	[tilespmem:v16+s9+$0x0] =	vst.idx.msk $0xffff, v25;
	v39 =	vsel vm1, v37, v39;
	v35 =	vsel vm0, v38, v35  }
0x65: {  	[tilespmem:v15+s9+$0x0] =	vst.idx.msk $0xffff, v26;
	v37 =	vsel vm1, $0x4, v37;
	v38 =	vsel vm0, v28, v38;
	vm1 =	vgt.f32 v30, v35  }
0x66: {  	[tilespmem:v14+s9+$0x0] =	vst.idx.msk $0xffff, v27;
	vm3 =	vgt.f32 v30, v38;
	v35 =	vsel vm1, v30, v35  }
0x67: {  	v29 =	vmul.f32 v36, v57;
	[tilespmem:v13+s9+$0x0] =	vst.idx.msk $0xffff, v28;
	v39 =	vsel vm2, $0x5, v39;
	v35 =	vsel vm3, v38, v35  }
0x68: {  	[tilespmem:v12+s9+$0x0] =	vst.idx.msk $0xffff, v30;
	v45 =	vsel vm0, $0x5, v37;
	v38 =	vsel vm3, v30, v38;
	vm2 =	vgt.f32 v31, v35  }
0x69: {  	v39 =	vsel vm0, v37, v39;
	vm0 =	vgt.f32 v31, v38;
	v46 =	vsel vm2, v31, v35  }
0x6a: {  	v47 =	vmul.f32 v36, v63;
	[tilespmem:v11+s9+$0x0] =	vst.idx.msk $0xffff, v31;
	v48 =	vsel vm1, $0x6, v39;
	v21 =	vsel vm0, v38, v46  }
0x6b: {  	[tilespmem:v10+s9+$0x0] =	vst.idx.msk $0xffff, v29;
	v50 =	vsel vm3, $0x6, v45;
	v49 =	vsel vm0, v31, v38;
	vm1 =	vgt.f32 v29, v21  }
0x6c: {  	v23 =	vsel vm3, v45, v48;
	vm3 =	vgt.f32 v29, v49;
	v51 =	vsel vm1, v29, v21  }
0x6d: {  	v58 =	vmul.f32 v36, v61;
	[tilespmem:v9+s9+$0x0] =	vst.idx.msk $0xffff, v20;
	v52 =	vsel vm2, $0x7, v23;
	v18 =	vsel vm3, v49, v51  }
0x6e: {  	[tilespmem:v8+s9+$0x0] =	vst.idx.msk $0xffff, v22;
	v53 =	vsel vm0, $0x7, v50;
	v54 =	vsel vm3, v29, v49;
	vm2 =	vgt.f32 v20, v18  }
0x6f: {  	v15 =	vsel vm0, v50, v52;
	vm0 =	vgt.f32 v20, v54;
	v56 =	vsel vm2, v20, v18  }
0x70: {  	[tilespmem:v7+s9+$0x0] =	vst.idx.msk $0xffff, v24;
	v55 =	vsel vm3, $0x8, v53;
	v15 =	vsel vm1, $0x8, v15;
	v14 =	vsel vm0, v54, v56  }
0x71: {  	v57 =	vsel vm0, v20, v54;
	v15 =	vsel vm3, v53, v15;
	vm3 =	vgt.f32 v22, v14  }
0x72: {  	[tilespmem:v6+s9+$0x0] =	vst.idx.msk $0xffff, v58;
	v6 =	vshll.u32 v2, $0x1;
	vm1 =	vgt.f32 v22, v57;
	v14 =	vsel vm3, v22, v14  }
0x73: {  	v61 =	vsel vm0, $0x9, v55;
	v60 =	vsel vm2, $0x9, v15;
	v13 =	vsel vm1, v57, v14  }
0x74: {  	v59 =	vsel vm1, v22, v57;
	v12 =	vsel vm0, v55, v60;
	vm2 =	vgt.f32 v24, v13  }
0x75: {  	vm0 =	vgt.f32 v24, v59;
	v11 =	vsel vm3, $0xA, v12;
	v13 =	vsel vm2, v24, v13  }
0x76: {  	v62 =	vsel vm0, v24, v59;
	v11 =	vsel vm1, v61, v11;
	v13 =	vsel vm0, v59, v13  }
0x77: {  	v10 =	vsel vm2, $0xB, v11;
	v11 =	vsel vm1, $0xA, v61;
	vm1 =	vgt.f32 v58, v13  }
0x78: {  	[tilespmem:v5+s9+$0x0] =	vst.idx.msk $0xffff, v33;
	v5 =	vor.u32 $0x1, v6;
	vm3 =	vgt.f32 v58, v62;
	v13 =	vsel vm1, v58, v13  }
0x79: {  	v10 =	vsel vm0, v11, v10;
	v9 =	vsel vm0, $0xB, v11;
	v11 =	vsel vm3, v62, v13  }
0x7a: {  	v63 =	vsel vm3, v58, v62;
	v10 =	vsel vm1, $0xC, v10;
	vm0 =	vgt.f32 v33, v11  }
0x7b: {  	vm1 =	vgt.f32 v33, v63;
	v8 =	vsel vm3, v9, v10;
	v7 =	vsel vm0, v33, v11  }
0x7c: {  	v9 =	vsel vm3, $0xC, v9;
	v10 =	vsel vm1, v33, v63;
	v7 =	vsel vm1, v63, v7  }
0x7d: {  	v2 =	vsel vm1, $0xD, v9;
	v8 =	vsel vm0, $0xD, v8;
	vm0 =	vgt.f32 v47, v7  }
0x7e: {  	vm2 =	vgt.f32 v47, v10;
	v8 =	vsel vm1, v9, v8;
	v7 =	vsel vm0, v47, v7  }
0x7f: {  	[tilespmem:v4+s9+$0x0] =	vst.idx.msk $0xffff, v47;
	v4 =	vsel vm0, $0xE, v8;
	v8 =	vsel vm2, v47, v10;
	v7 =	vsel vm2, v10, v7  }
0x80: {  	[tilespmem:v3+s9+$0x0] =	vst.idx.msk $0xffff, v42;
	v3 =	vsel vm2, $0xE, v2;
	vm0 =	vgt.f32 v42, v8;
	vm1 =	vgt.f32 v42, v7  }
0x81: {  	s14 =	simm.s32 $0x10;
	v4 =	vsel vm2, v2, v4;
	v9 =	vsel vm0, v42, v8;
	v7 =	vsel vm1, v42, v7  }
0x82: {  	s13 =	simm.s32 $0x20;
	v2 =	vor.u32 s14, v0;
	[tilespmem:v6+s10+$0x0] =	vst.idx.msk $0xffff, v9;
	v8 =	vsel vm0, v8, v7;
	v7 =	vsel vm0, $0xF, v3  }
.LBB2_2:
0x83: {  	p0 =	sne.s32 s13, $0x1F0;
	v18 =	vshll.u32 v2, $0x4;
	v4 =	vsel vm1, $0xF, v4;
	[tilespmem:v5+s10+$0x0] =	vst.idx.msk $0xffff, v8;
	s14 =	smov.u32 s13;
	s13 =	sadd.s32 $0x10, s13  }
0x84: {  	v17 =	vor.u32 $0x1, v18;
	v16 =	vor.u32 $0x2, v18;
	v15 =	vor.u32 $0x3, v18;
	[tilespmem:v6+s11+$0x0] =	vst.idx.msk $0xffff, v7  }
0x85: {  	v14 =	vor.u32 $0x4, v18;
	v12 =	vor.u32 $0x5, v18;
	v3 =	vsel vm0, v3, v4  }
0x86: {  	v11 =	vor.u32 $0x7, v18;
	v10 =	vor.u32 $0x8, v18;
	v9 =	vor.u32 $0x9, v18;
	[tilespmem:v5+s11+$0x0] =	vst.idx.msk $0xffff, v3  }
0x87: {  	v8 =	vor.u32 $0xA, v18;
	v7 =	vor.u32 $0xB, v18;
	v6 =	vor.u32 $0xC, v18  }
0x88: {  	v4 =	vor.u32 $0xE, v18;
	v5 =	vor.u32 $0xD, v18;
	v3 =	vor.u32 $0xF, v18;
	v19 =	vld.idx.msk [tilespmem:v18+s2+$0x0], $0xffff  }
0x89: {  	v13 =	vor.u32 $0x6, v18;
	v20 =	vld.idx.msk [tilespmem:v17+s2+$0x0], $0xffff  }
0x8a: {  	v21 =	vld.idx.msk [tilespmem:v16+s2+$0x0], $0xffff  }
0x8b: {  	v22 =	vld.idx.msk [tilespmem:v15+s2+$0x0], $0xffff  }
0x8c: {  	v23 =	vld.idx.msk [tilespmem:v14+s2+$0x0], $0xffff  }
0x8d: {  	v24 =	vld.idx.msk [tilespmem:v12+s2+$0x0], $0xffff  }
0x8e: {  	v25 =	vld.idx.msk [tilespmem:v13+s2+$0x0], $0xffff  }
0x8f: {  	v27 =	vmax.f32 v19, v20;
	v26 =	vld.idx.msk [tilespmem:v11+s2+$0x0], $0xffff  }
0x90: {  	v27 =	vmax.f32 v27, v21;
	v28 =	vld.idx.msk [tilespmem:v10+s2+$0x0], $0xffff  }
0x91: {  	v27 =	vmax.f32 v27, v22;
	v29 =	vld.idx.msk [tilespmem:v9+s2+$0x0], $0xffff  }
0x92: {  	v27 =	vmax.f32 v27, v23;
	v30 =	vld.idx.msk [tilespmem:v8+s2+$0x0], $0xffff  }
0x93: {  	v27 =	vmax.f32 v27, v24;
	v31 =	vld.idx.msk [tilespmem:v7+s2+$0x0], $0xffff  }
0x94: {  	v27 =	vmax.f32 v27, v25;
	v32 =	vld.idx.msk [tilespmem:v6+s2+$0x0], $0xffff  }
0x95: {  	v27 =	vmax.f32 v27, v26;
	v33 =	vld.idx.msk [tilespmem:v5+s2+$0x0], $0xffff  }
0x96: {  	v27 =	vmax.f32 v27, v28;
	v34 =	vld.idx.msk [tilespmem:v4+s2+$0x0], $0xffff  }
0x97: {  	v27 =	vmax.f32 v27, v29;
	v35 =	vld.idx.msk [tilespmem:v3+s2+$0x0], $0xffff  }
0x98: {  	v27 =	vmax.f32 v27, v30  }
0x99: {  	v27 =	vmax.f32 v27, v31  }
0x9a: {  	v27 =	vmax.f32 v27, v32  }
0x9b: {  	v27 =	vmax.f32 v27, v33  }
0x9c: {  	v27 =	vmax.f32 v27, v34  }
0x9d: {  	v27 =	vmax.f32 v27, v35  }
0x9e: {  	v19 =	vsub.f32 v19, v27;
	v20 =	vsub.f32 v20, v27  }
0x9f: {  	v21 =	vsub.f32 v21, v27;
	v22 =	vsub.f32 v22, v27  }
0xa0: {  	v23 =	vsub.f32 v23, v27;
	v19 =	vmul.f32 $1.442695020e+00, v19;
	v20 =	vmul.f32 $1.442695020e+00, v20  }
0xa1: {  	v24 =	vsub.f32 v24, v27;
	v21 =	vmul.f32 $1.442695020e+00, v21;
	v22 =	vmul.f32 $1.442695020e+00, v22  }
0xa2: {  	v25 =	vsub.f32 v25, v27;
	v23 =	vmul.f32 $1.442695020e+00, v23;
	(erf) = vpow2.f32 v19  }
0xa3: {  	v19 =	vmul.f32 $1.442695020e+00, v24;
	v24 =	vsub.f32 v26, v27;
	(erf) = vpow2.f32 v20  }
0xa4: {  	v20 =	vmul.f32 $1.442695020e+00, v25;
	v25 =	vsub.f32 v28, v27;
	(erf) = vpow2.f32 v21  }
0xa5: {  	v26 =	vsub.f32 v30, v27;
	v21 =	vmul.f32 $1.442695020e+00, v24;
	v24 =	vsub.f32 v29, v27  }
0xa6: {  	v28 =	vsub.f32 v31, v27;
	v25 =	vmul.f32 $1.442695020e+00, v25;
	(erf) = vpow2.f32 v22  }
0xa7: {  	v22 =	vmul.f32 $1.442695020e+00, v24;
	v24 =	vmul.f32 $1.442695020e+00, v26;
	v26 =	vsub.f32 v32, v27  }
0xa8: {  	v29 =	vsub.f32 v33, v27;
	v28 =	vmul.f32 $1.442695020e+00, v28;
	(erf) = vpow2.f32 v23  }
0xa9: {  	v31 =	vsub.f32 v35, v27;
	v23 =	vmul.f32 $1.442695020e+00, v26;
	v26 =	vsub.f32 v34, v27  }
0xaa: {  	(erf) = vpow2.f32 v19  }
0xab: {  	v19 =	vmul.f32 $1.442695020e+00, v26;
	v26 =	vmul.f32 $1.442695020e+00, v31;
	v27 =	vpop (erf)  }
0xac: {  	v30 =	vpop (erf);
	(erf) = vpow2.f32 v20  }
0xad: {  	v20 =	vadd.f32 v30, v27;
	v31 =	vpop (erf)  }
0xae: {  	(erf) = vpow2.f32 v21  }
0xaf: {  	v20 =	vadd.f32 v20, v31;
	v32 =	vpop (erf)  }
0xb0: {  	(erf) = vpow2.f32 v25  }
0xb1: {  	v20 =	vadd.f32 v20, v32;
	v25 =	vpop (erf)  }
0xb2: {  	(erf) = vpow2.f32 v22  }
0xb3: {  	v20 =	vadd.f32 v20, v25;
	v33 =	vpop (erf)  }
0xb4: {  	(erf) = vpow2.f32 v24  }
0xb5: {  	v20 =	vadd.f32 v20, v33;
	v24 =	vpop (erf)  }
0xb6: {  	(erf) = vpow2.f32 v28  }
0xb7: {  	v20 =	vadd.f32 v20, v24;
	v21 =	vpop (erf);
	_ =	sdelay $0x1  }
0xb8: {  	v22 =	vmul.f32 $1.442695020e+00, v29;
	v20 =	vadd.f32 v20, v21;
	v28 =	vpop (erf);
	(erf) = vpow2.f32 v23;
	_ =	sdelay $0x1  }
0xb9: {  	v20 =	vadd.f32 v20, v28;
	v23 =	vpop (erf);
	(erf) = vpow2.f32 v22;
	_ =	sdelay $0x1  }
0xba: {  	v29 =	vadd.f32 v20, v23;
	v22 =	vpop (erf);
	(erf) = vpow2.f32 v19;
	_ =	sdelay $0x1  }
0xbb: {  	v19 =	vadd.f32 v29, v22;
	v20 =	vpop (erf);
	(erf) = vpow2.f32 v26;
	_ =	sdelay $0x1  }
0xbc: {  	v19 =	vadd.f32 v19, v20  }
0xbd: {  	v26 =	vpop (erf)  }
0xbe: {  	v19 =	vadd.f32 v19, v26  }
0xbf: {  	v29 =	vpop (erf)  }
0xc0: {  	v19 =	vadd.f32 v19, v29  }
0xc1: {  	v34 =	vpop (erf)  }
0xc2: {  	v19 =	vadd.f32 v19, v34  }
0xc3: {  	v35 =	vpop (erf)  }
0xc4: {  	v19 =	vadd.f32 v19, v35;
	_ =	sdelay $0x1  }
0xc5: {  	(erf) = vrcp.f32 v19;
	_ =	sdelay $0x8  }
0xc6: {  	v36 =	vpop (erf)  }
0xc7: {  	v27 =	vmul.f32 v36, v27;
	v19 =	vmul.f32 v36, v35  }
0xc8: {  	v23 =	vmul.f32 v36, v23;
	v20 =	vmul.f32 v36, v20  }
0xc9: {  	v30 =	vmul.f32 v36, v30;
	[tilespmem:v18+s9+$0x0] =	vst.idx.msk $0xffff, v27;
	vm0 =	vgt.f32 v27, $-Inf;
	v18 =	vmul.f32 v36, v29  }
0xca: {  	v22 =	vmul.f32 v36, v22;
	v27 =	vnsel vm0, $0xFF800000, v27  }
0xcb: {  	vm1 =	vgt.f32 v30, $-Inf;
	vm0 =	vlt.f32 v30, $-Inf;
	[tilespmem:v17+s9+$0x0] =	vst.idx.msk $0xffff, v30;
	v17 =	vmul.f32 v36, v31  }
0xcc: {  	v29 =	vmul.f32 v36, v32;
	vm2 =	vgt.f32 v30, v27;
	vm0 =	vmor vm1, vm0  }
0xcd: {  	vm1 =	vmneg vm2;
	v31 =	vnsel vm0, $0xFF800000, v30;
	[tilespmem:v16+s9+$0x0] =	vst.idx.msk $0xffff, v17  }
0xce: {  	v16 =	vsel vm1, v31, v27;
	vm0 =	vmand vm0, vm1;
	v27 =	vsel vm1, v27, v30;
	[tilespmem:v15+s9+$0x0] =	vst.idx.msk $0xffff, v29  }
0xcf: {  	vm1 =	vgt.f32 v17, v27;
	vm3 =	vgt.f32 v17, v16;
	v15 =	vmul.f32 v36, v34  }
0xd0: {  	v25 =	vmul.f32 v36, v25;
	v16 =	vsel vm3, v17, v16;
	v17 =	vsel vm1, v17, v27  }
0xd1: {  	v30 =	vsel vm0, $0x1, v1;
	v16 =	vsel vm1, v27, v16;
	vm0 =	vgt.f32 v29, v17  }
0xd2: {  	v30 =	vsel vm3, $0x2, v30;
	v27 =	vsel vm2, $0x1, v1;
	vm2 =	vgt.f32 v29, v16;
	[tilespmem:v14+s9+$0x0] =	vst.idx.msk $0xffff, v25  }
0xd3: {  	v28 =	vmul.f32 v36, v28;
	v14 =	vsel vm1, v27, v30;
	v16 =	vsel vm2, v29, v16  }
0xd4: {  	v30 =	vmul.f32 v36, v33;
	v16 =	vsel vm0, v17, v16;
	v14 =	vsel vm2, $0x3, v14  }
0xd5: {  	v27 =	vsel vm1, $0x2, v27;
	v17 =	vsel vm0, v29, v17;
	vm1 =	vgt.f32 v25, v16  }
0xd6: {  	v24 =	vmul.f32 v36, v24;
	vm2 =	vgt.f32 v25, v17;
	v16 =	vsel vm1, v25, v16  }
0xd7: {  	v14 =	vsel vm0, v27, v14;
	v27 =	vsel vm0, $0x3, v27;
	v16 =	vsel vm2, v17, v16;
	[tilespmem:v12+s9+$0x0] =	vst.idx.msk $0xffff, v30  }
0xd8: {  	v12 =	vsel vm1, $0x4, v14;
	v14 =	vsel vm2, v25, v17;
	vm0 =	vgt.f32 v30, v16;
	[tilespmem:v13+s9+$0x0] =	vst.idx.msk $0xffff, v24  }
0xd9: {  	v12 =	vsel vm2, v27, v12;
	vm1 =	vgt.f32 v30, v14;
	v13 =	vsel vm0, v30, v16  }
0xda: {  	v17 =	vmul.f32 v36, v21;
	v16 =	vsel vm2, $0x4, v27;
	v13 =	vsel vm1, v14, v13  }
0xdb: {  	v14 =	vsel vm1, v30, v14;
	v21 =	vsel vm1, $0x5, v16;
	vm2 =	vgt.f32 v24, v13  }
0xdc: {  	v12 =	vsel vm0, $0x5, v12;
	vm0 =	vgt.f32 v24, v14;
	v13 =	vsel vm2, v24, v13;
	[tilespmem:v11+s9+$0x0] =	vst.idx.msk $0xffff, v17  }
0xdd: {  	v11 =	vsel vm1, v16, v12;
	v12 =	vsel vm0, v14, v13;
	v13 =	vmul.f32 v36, v26  }
0xde: {  	v14 =	vsel vm0, v24, v14;
	v11 =	vsel vm2, $0x6, v11;
	vm1 =	vgt.f32 v17, v12;
	[tilespmem:v10+s9+$0x0] =	vst.idx.msk $0xffff, v28  }
0xdf: {  	vm2 =	vgt.f32 v17, v14;
	v10 =	vsel vm0, v21, v11;
	v11 =	vsel vm1, v17, v12  }
0xe0: {  	v12 =	vsel vm2, v17, v14;
	v11 =	vsel vm2, v14, v11;
	v10 =	vsel vm1, $0x7, v10;
	[tilespmem:v9+s9+$0x0] =	vst.idx.msk $0xffff, v23  }
0xe1: {  	v9 =	vsel vm0, $0x6, v21;
	vm0 =	vgt.f32 v28, v12;
	vm1 =	vgt.f32 v28, v11;
	[tilespmem:v8+s9+$0x0] =	vst.idx.msk $0xffff, v22  }
0xe2: {  	v8 =	vsel vm2, $0x7, v9;
	v11 =	vsel vm1, v28, v11;
	v14 =	vsel vm0, v28, v12;
	[tilespmem:v7+s9+$0x0] =	vst.idx.msk $0xffff, v20  }
0xe3: {  	v7 =	vsel vm0, v12, v11;
	v11 =	vsel vm0, $0x8, v8;
	vm3 =	vgt.f32 v23, v14;
	[tilespmem:v6+s9+$0x0] =	vst.idx.msk $0xffff, v13  }
0xe4: {  	v6 =	vsel vm2, v9, v10;
	vm2 =	vgt.f32 v23, v7;
	v9 =	vsel vm3, v23, v14  }
0xe5: {  	v6 =	vsel vm1, $0x8, v6;
	v7 =	vsel vm2, v23, v7;
	vm1 =	vgt.f32 v22, v9;
	[tilespmem:v5+s9+$0x0] =	vst.idx.msk $0xffff, v18  }
0xe6: {  	v5 =	vsel vm0, v8, v6;
	v6 =	vsel vm3, v14, v7;
	v7 =	vsel vm1, v22, v9  }
0xe7: {  	v8 =	vsel vm3, $0x9, v11;
	v5 =	vsel vm2, $0x9, v5;
	vm0 =	vgt.f32 v22, v6;
	[tilespmem:v4+s9+$0x0] =	vst.idx.msk $0xffff, v15  }
0xe8: {  	vm2 =	vgt.f32 v20, v7;
	v4 =	vsel vm3, v11, v5;
	v5 =	vsel vm0, v22, v6  }
0xe9: {  	v6 =	vsel vm2, v20, v7;
	v5 =	vsel vm1, v9, v5;
	v4 =	vsel vm0, $0xA, v4;
	[tilespmem:v3+s9+$0x0] =	vst.idx.msk $0xffff, v19  }
0xea: {  	vm3 =	vgt.f32 v13, v6;
	v3 =	vsel vm1, v8, v4;
	vm0 =	vgt.f32 v20, v5  }
0xeb: {  	v4 =	vsel vm0, v20, v5;
	v3 =	vsel vm0, $0xB, v3;
	v5 =	vsel vm3, v13, v6  }
0xec: {  	v8 =	vsel vm1, $0xA, v8;
	v4 =	vsel vm2, v7, v4  }
0xed: {  	v3 =	vsel vm2, v8, v3;
	v7 =	vsel vm2, $0xB, v8;
	vm0 =	vgt.f32 v13, v4  }
0xee: {  	v4 =	vsel vm0, v13, v4;
	v3 =	vsel vm0, $0xC, v3  }
0xef: {  	v4 =	vsel vm3, v6, v4;
	v3 =	vsel vm3, v7, v3  }
0xf0: {  	v7 =	vsel vm3, $0xC, v7;
	vm0 =	vgt.f32 v18, v4  }
0xf1: {  	vm1 =	vgt.f32 v18, v5;
	v4 =	vsel vm0, v18, v4;
	v3 =	vsel vm0, $0xD, v3  }
0xf2: {  	v8 =	vsel vm1, v18, v5;
	v4 =	vsel vm1, v5, v4;
	v3 =	vsel vm1, v7, v3  }
0xf3: {  	v6 =	vshll.u32 v2, $0x1;
	v2 =	vsel vm1, $0xD, v7;
	vm0 =	vgt.f32 v15, v4  }
.Ltmp0:
0xf4: {  	vm2 =	vgt.f32 v15, v8;
	v5 =	vor.u32 $0x1, v6;
	v4 =	vsel vm0, v15, v4;
	(pc) =	sbr.rel @p0 .LBB2_2-.Ltmp0, $4  }
0xf5: {  	v7 =	vsel vm2, v8, v4;
	v4 =	vsel vm0, $0xE, v3;
	v8 =	vsel vm2, v15, v8  }
0xf6: {  	v3 =	vsel vm2, $0xE, v2;
	vm0 =	vgt.f32 v19, v8;
	vm1 =	vgt.f32 v19, v7  }
0xf7: {  	v4 =	vsel vm2, v2, v4;
	v7 =	vsel vm1, v19, v7;
	v9 =	vsel vm0, v19, v8  }
0xf8: {  	v2 =	vor.u32 s14, v0;
	v8 =	vsel vm0, v8, v7;
	v7 =	vsel vm0, $0xF, v3;
	[tilespmem:v6+s10+$0x0] =	vst.idx.msk $0xffff, v9  }
0xf9: {  	_ =	sdelay $0x1  }
0xfa: {  	v18 =	vshll.u32 v2, $0x4  }
0xfb: {  	v17 =	vor.u32 $0x1, v18  }
0xfc: {  	v4 =	vsel vm1, $0xF, v4;
	[tilespmem:v5+s10+$0x0] =	vst.idx.msk $0xffff, v8;
	v16 =	vor.u32 $0x2, v18  }
0xfd: {  	v15 =	vor.u32 $0x3, v18;
	[tilespmem:v6+s11+$0x0] =	vst.idx.msk $0xffff, v7;
	v3 =	vsel vm0, v3, v4  }
0xfe: {  	v14 =	vor.u32 $0x4, v18;
	[tilespmem:v5+s11+$0x0] =	vst.idx.msk $0xffff, v3  }
0xff: {  	v13 =	vor.u32 $0x5, v18;
	v19 =	vld.idx.msk [tilespmem:v18+s2+$0x0], $0xffff  }
0x100: {  	v12 =	vor.u32 $0x6, v18;
	v20 =	vld.idx.msk [tilespmem:v17+s2+$0x0], $0xffff  }
0x101: {  	v11 =	vor.u32 $0x7, v18;
	v21 =	vld.idx.msk [tilespmem:v16+s2+$0x0], $0xffff  }
0x102: {  	v10 =	vor.u32 $0x8, v18;
	v22 =	vld.idx.msk [tilespmem:v15+s2+$0x0], $0xffff  }
0x103: {  	v9 =	vor.u32 $0x9, v18;
	v23 =	vld.idx.msk [tilespmem:v14+s2+$0x0], $0xffff  }
0x104: {  	v8 =	vor.u32 $0xA, v18;
	v24 =	vld.idx.msk [tilespmem:v13+s2+$0x0], $0xffff  }
0x105: {  	v7 =	vor.u32 $0xB, v18;
	v25 =	vld.idx.msk [tilespmem:v12+s2+$0x0], $0xffff;
	v3 =	vmax.f32 v19, v20  }
0x106: {  	v6 =	vor.u32 $0xC, v18;
	v26 =	vld.idx.msk [tilespmem:v11+s2+$0x0], $0xffff;
	v3 =	vmax.f32 v3, v21  }
0x107: {  	v5 =	vor.u32 $0xD, v18;
	v27 =	vld.idx.msk [tilespmem:v10+s2+$0x0], $0xffff;
	v3 =	vmax.f32 v3, v22  }
0x108: {  	v4 =	vor.u32 $0xE, v18;
	v28 =	vld.idx.msk [tilespmem:v9+s2+$0x0], $0xffff;
	v29 =	vmax.f32 v3, v23  }
0x109: {  	v30 =	vld.idx.msk [tilespmem:v8+s2+$0x0], $0xffff;
	v3 =	vor.u32 $0xF, v18;
	v29 =	vmax.f32 v29, v24  }
0x10a: {  	v31 =	vld.idx.msk [tilespmem:v7+s2+$0x0], $0xffff;
	v29 =	vmax.f32 v29, v25  }
0x10b: {  	v32 =	vld.idx.msk [tilespmem:v6+s2+$0x0], $0xffff;
	v29 =	vmax.f32 v29, v26  }
0x10c: {  	v33 =	vld.idx.msk [tilespmem:v5+s2+$0x0], $0xffff;
	v29 =	vmax.f32 v29, v27  }
0x10d: {  	v34 =	vld.idx.msk [tilespmem:v4+s2+$0x0], $0xffff;
	v29 =	vmax.f32 v29, v28  }
0x10e: {  	v35 =	vld.idx.msk [tilespmem:v3+s2+$0x0], $0xffff;
	v29 =	vmax.f32 v29, v30  }
0x10f: {  	v29 =	vmax.f32 v29, v31  }
0x110: {  	v29 =	vmax.f32 v29, v32  }
0x111: {  	v29 =	vmax.f32 v29, v33  }
0x112: {  	v29 =	vmax.f32 v29, v34  }
0x113: {  	v29 =	vmax.f32 v29, v35  }
0x114: {  	v19 =	vsub.f32 v19, v29  }
0x115: {  	v20 =	vsub.f32 v20, v29  }
0x116: {  	v19 =	vmul.f32 $1.442695020e+00, v19  }
0x117: {  	v21 =	vsub.f32 v21, v29;
	v20 =	vmul.f32 $1.442695020e+00, v20  }
0x118: {  	(erf) = vpow2.f32 v19  }
0x119: {  	v52 =	vsub.f32 v22, v29;
	v21 =	vmul.f32 $1.442695020e+00, v21;
	(erf) = vpow2.f32 v20  }
0x11a: {  	v53 =	vsub.f32 v23, v29  }
0x11b: {  	v54 =	vsub.f32 v24, v29;
	v19 =	vmul.f32 $1.442695020e+00, v52;
	(erf) = vpow2.f32 v21  }
0x11c: {  	v20 =	vmul.f32 $1.442695020e+00, v53  }
0x11d: {  	v21 =	vmul.f32 $1.442695020e+00, v54;
	(erf) = vpow2.f32 v19;
	_ =	sdelay $0x1  }
0x11e: {  	v55 =	vsub.f32 v25, v29;
	(erf) = vpow2.f32 v20;
	_ =	sdelay $0x1  }
0x11f: {  	v56 =	vsub.f32 v26, v29;
	v19 =	vmul.f32 $1.442695020e+00, v55;
	(erf) = vpow2.f32 v21;
	v21 =	vpop (erf)  }
0x120: {  	v57 =	vsub.f32 v27, v29;
	v58 =	vpop (erf)  }
0x121: {  	v20 =	vmul.f32 $1.442695020e+00, v56;
	(erf) = vpow2.f32 v19;
	v59 =	vadd.f32 v58, v21  }
0x122: {  	v60 =	vsub.f32 v28, v29;
	v61 =	vpop (erf)  }
0x123: {  	v22 =	vmul.f32 $1.442695020e+00, v57;
	(erf) = vpow2.f32 v20;
	v19 =	vadd.f32 v59, v61  }
0x124: {  	v62 =	vsub.f32 v30, v29;
	v63 =	vpop (erf)  }
0x125: {  	v24 =	vmul.f32 $1.442695020e+00, v60;
	(erf) = vpow2.f32 v22;
	v19 =	vadd.f32 v19, v63  }
0x126: {  	v40 =	vsub.f32 v31, v29;
	v41 =	vpop (erf)  }
0x127: {  	v20 =	vmul.f32 $1.442695020e+00, v62;
	(erf) = vpow2.f32 v24;
	v19 =	vadd.f32 v19, v41  }
0x128: {  	v42 =	vsub.f32 v32, v29;
	v43 =	vpop (erf)  }
0x129: {  	v22 =	vmul.f32 $1.442695020e+00, v40;
	(erf) = vpow2.f32 v20;
	v19 =	vadd.f32 v19, v43  }
0x12a: {  	v44 =	vsub.f32 v33, v29;
	v45 =	vpop (erf)  }
0x12b: {  	v24 =	vmul.f32 $1.442695020e+00, v42;
	(erf) = vpow2.f32 v22;
	v19 =	vadd.f32 v19, v45  }
0x12c: {  	v46 =	vsub.f32 v34, v29;
	v47 =	vpop (erf)  }
0x12d: {  	v20 =	vmul.f32 $1.442695020e+00, v44;
	(erf) = vpow2.f32 v24;
	v19 =	vadd.f32 v19, v47  }
0x12e: {  	v48 =	vsub.f32 v35, v29;
	v49 =	vpop (erf)  }
0x12f: {  	v22 =	vmul.f32 $1.442695020e+00, v46;
	(erf) = vpow2.f32 v20;
	v19 =	vadd.f32 v19, v49  }
0x130: {  	v50 =	vpop (erf)  }
0x131: {  	v24 =	vmul.f32 $1.442695020e+00, v48;
	(erf) = vpow2.f32 v22;
	v19 =	vadd.f32 v19, v50  }
0x132: {  	v51 =	vpop (erf)  }
0x133: {  	(erf) = vpow2.f32 v24;
	v19 =	vadd.f32 v19, v51  }
0x134: {  	v52 =	vpop (erf)  }
0x135: {  	v19 =	vadd.f32 v19, v52  }
0x136: {  	v53 =	vpop (erf)  }
0x137: {  	v19 =	vadd.f32 v19, v53  }
0x138: {  	v54 =	vpop (erf)  }
0x139: {  	v19 =	vadd.f32 v19, v54  }
0x13a: {  	v55 =	vpop (erf)  }
0x13b: {  	v19 =	vadd.f32 v19, v55  }
0x13c: {  	v56 =	vpop (erf)  }
0x13d: {  	v19 =	vadd.f32 v19, v56;
	_ =	sdelay $0x1  }
0x13e: {  	(erf) = vrcp.f32 v19;
	_ =	sdelay $0x8  }
0x13f: {  	v36 =	vpop (erf)  }
0x140: {  	v21 =	vmul.f32 v36, v21  }
0x141: {  	v23 =	vmul.f32 v36, v58  }
0x142: {  	vm5 =	vgt.f32 v21, $-Inf  }
0x143: {  	vm6 =	vlt.f32 v23, $-Inf;
	vm7 =	vgt.f32 v23, $-Inf;
	v37 =	vnsel vm5, $0xFF800000, v21  }
0x144: {  	vm0 =	vmor vm7, vm6;
	vm2 =	vgt.f32 v23, v37  }
0x145: {  	v25 =	vmul.f32 v36, v61;
	v57 =	vnsel vm0, $0xFF800000, v23;
	vm8 =	vmneg vm2  }
0x146: {  	v2 =	vshll.u32 v2, $0x1;
	v19 =	vmul.f32 v36, v56;
	v35 =	vsel vm8, v57, v37  }
0x147: {  	v20 =	vmul.f32 v36, v50;
	v37 =	vsel vm8, v37, v23;
	vm3 =	vgt.f32 v25, v35  }
0x148: {  	v26 =	vmul.f32 v36, v63;
	vm9 =	vgt.f32 v25, v37;
	v35 =	vsel vm3, v25, v35  }
0x149: {  	v27 =	vmul.f32 v36, v41;
	v24 =	vmul.f32 v36, v52;
	v35 =	vsel vm9, v37, v35  }
0x14a: {  	v28 =	vmul.f32 v36, v43;
	v38 =	vsel vm9, v25, v37;
	vm10 =	vgt.f32 v26, v35  }
0x14b: {  	v30 =	vmul.f32 v36, v45;
	vm11 =	vgt.f32 v26, v38;
	v35 =	vsel vm10, v26, v35  }
0x14c: {  	v33 =	vmul.f32 v36, v54;
	v31 =	vmul.f32 v36, v47;
	v35 =	vsel vm11, v38, v35  }
0x14d: {  	v29 =	vmul.f32 v36, v49;
	v38 =	vsel vm11, v26, v38;
	vm12 =	vgt.f32 v27, v35  }
0x14e: {  	v22 =	vmul.f32 v36, v51;
	vm13 =	vgt.f32 v27, v38;
	v35 =	vsel vm12, v27, v35  }
0x14f: {  	v58 =	vsel vm2, $0x1, v1;
	vm0 =	vmand vm0, vm8;
	v35 =	vsel vm13, v38, v35  }
0x150: {  	v39 =	vsel vm0, $0x1, v1;
	v38 =	vsel vm13, v27, v38;
	vm14 =	vgt.f32 v28, v35  }
0x151: {  	v39 =	vsel vm3, $0x2, v39;
	vm15 =	vgt.f32 v28, v38;
	v35 =	vsel vm14, v28, v35  }
0x152: {  	v59 =	vmul.f32 v36, v55;
	v39 =	vsel vm9, v58, v39;
	v35 =	vsel vm15, v38, v35  }
0x153: {  	v37 =	vsel vm9, $0x2, v58;
	v38 =	vsel vm15, v28, v38;
	vm6 =	vgt.f32 v30, v35  }
0x154: {  	v39 =	vsel vm10, $0x3, v39;
	vm7 =	vgt.f32 v30, v38;
	v35 =	vsel vm6, v30, v35  }
0x155: {  	v58 =	vor.u32 $0x1, v2;
	v39 =	vsel vm11, v37, v39;
	v35 =	vsel vm7, v38, v35  }
0x156: {  	v37 =	vsel vm11, $0x3, v37;
	v38 =	vsel vm7, v30, v38;
	vm8 =	vgt.f32 v31, v35  }
0x157: {  	v39 =	vsel vm12, $0x4, v39;
	vm9 =	vgt.f32 v31, v38;
	v35 =	vsel vm8, v31, v35  }
0x158: {  	[tilespmem:v18+s9+$0x0] =	vst.idx.msk $0xffff, v21;
	v39 =	vsel vm13, v37, v39;
	v37 =	vsel vm13, $0x4, v37;
	v35 =	vsel vm9, v38, v35  }
0x159: {  	[tilespmem:v17+s9+$0x0] =	vst.idx.msk $0xffff, v23;
	v39 =	vsel vm14, $0x5, v39;
	v38 =	vsel vm9, v31, v38;
	vm10 =	vgt.f32 v29, v35  }
0x15a: {  	v39 =	vsel vm15, v37, v39;
	vm11 =	vgt.f32 v29, v38;
	v35 =	vsel vm10, v29, v35  }
0x15b: {  	[tilespmem:v16+s9+$0x0] =	vst.idx.msk $0xffff, v25;
	v37 =	vsel vm15, $0x5, v37;
	v39 =	vsel vm6, $0x6, v39;
	v61 =	vsel vm11, v38, v35  }
0x15c: {  	[tilespmem:v15+s9+$0x0] =	vst.idx.msk $0xffff, v26;
	v60 =	vsel vm7, $0x6, v37;
	v62 =	vsel vm11, v29, v38;
	vm12 =	vgt.f32 v20, v61  }
0x15d: {  	v39 =	vsel vm7, v37, v39;
	vm13 =	vgt.f32 v20, v62;
	v38 =	vsel vm12, v20, v61  }
0x15e: {  	[tilespmem:v14+s9+$0x0] =	vst.idx.msk $0xffff, v27;
	v39 =	vsel vm8, $0x7, v39;
	v63 =	vsel vm9, $0x7, v60;
	v21 =	vsel vm13, v62, v38  }
0x15f: {  	v37 =	vsel vm9, v60, v39;
	v41 =	vsel vm13, v20, v62;
	vm14 =	vgt.f32 v22, v21  }
0x160: {  	v39 =	vmul.f32 v36, v53;
	vm15 =	vgt.f32 v22, v41;
	v21 =	vsel vm14, v22, v21  }
0x161: {  	[tilespmem:v13+s9+$0x0] =	vst.idx.msk $0xffff, v28;
	v40 =	vsel vm11, $0x8, v63;
	v42 =	vsel vm10, $0x8, v37;
	v15 =	vsel vm15, v41, v21  }
0x162: {  	v17 =	vsel vm11, v63, v42;
	v43 =	vsel vm15, v22, v41;
	vm6 =	vgt.f32 v24, v15  }
0x163: {  	[tilespmem:v12+s9+$0x0] =	vst.idx.msk $0xffff, v30;
	v17 =	vsel vm12, $0x9, v17;
	vm7 =	vgt.f32 v24, v43;
	v15 =	vsel vm6, v24, v15  }
0x164: {  	[tilespmem:v11+s9+$0x0] =	vst.idx.msk $0xffff, v31;
	v44 =	vsel vm13, $0x9, v40;
	v17 =	vsel vm13, v40, v17;
	v47 =	vsel vm7, v43, v15  }
0x165: {  	[tilespmem:v10+s9+$0x0] =	vst.idx.msk $0xffff, v29;
	v49 =	vsel vm15, $0xA, v44;
	v48 =	vsel vm7, v24, v43;
	vm8 =	vgt.f32 v39, v47  }
0x166: {  	[tilespmem:v9+s9+$0x0] =	vst.idx.msk $0xffff, v20;
	v45 =	vsel vm14, $0xA, v17;
	vm9 =	vgt.f32 v39, v48;
	v12 =	vsel vm8, v39, v47  }
0x167: {  	[tilespmem:v8+s9+$0x0] =	vst.idx.msk $0xffff, v22;
	v51 =	vsel vm7, $0xB, v49;
	v46 =	vsel vm15, v44, v45;
	v10 =	vsel vm9, v48, v12  }
0x168: {  	[tilespmem:v7+s9+$0x0] =	vst.idx.msk $0xffff, v24;
	v50 =	vsel vm9, v39, v48;
	v53 =	vsel vm9, $0xC, v51;
	vm10 =	vgt.f32 v33, v10  }
0x169: {  	[tilespmem:v6+s9+$0x0] =	vst.idx.msk $0xffff, v39;
	v11 =	vsel vm6, $0xB, v46;
	vm11 =	vgt.f32 v33, v50;
	v10 =	vsel vm10, v33, v10  }
0x16a: {  	v11 =	vsel vm7, v49, v11;
	v56 =	vsel vm11, v33, v50;
	v55 =	vsel vm11, v50, v10  }
0x16b: {  	[tilespmem:v5+s9+$0x0] =	vst.idx.msk $0xffff, v33;
	vm13 =	vgt.f32 v59, v56;
	v52 =	vsel vm8, $0xC, v11;
	vm12 =	vgt.f32 v59, v55  }
0x16c: {  	v6 =	vsel vm13, v59, v56;
	v9 =	vsel vm9, v51, v52;
	v57 =	vsel vm12, v59, v55  }
0x16d: {  	[tilespmem:v4+s9+$0x0] =	vst.idx.msk $0xffff, v59;
	vm14 =	vgt.f32 v19, v6;
	v54 =	vsel vm10, $0xD, v9;
	v5 =	vsel vm13, v56, v57  }
0x16e: {  	v60 =	vsel vm14, v19, v6;
	v8 =	vsel vm11, v53, v54;
	vm15 =	vgt.f32 v19, v5  }
0x16f: {  	[tilespmem:v3+s9+$0x0] =	vst.idx.msk $0xffff, v19;
	v59 =	vsel vm11, $0xD, v53;
	v3 =	vsel vm12, $0xE, v8;
	v5 =	vsel vm15, v19, v5  }
0x170: {  	[tilespmem:v2+s10+$0x0] =	vst.idx.msk $0xffff, v60;
	v61 =	vsel vm13, $0xE, v59;
	v3 =	vsel vm13, v59, v3;
	v62 =	vsel vm14, v6, v5  }
0x171: {  	v63 =	vsel vm14, $0xF, v61;
	v3 =	vsel vm15, $0xF, v3;
	[tilespmem:v58+s10+$0x0] =	vst.idx.msk $0xffff, v62  }
0x172: {  	[tilespmem:v2+s11+$0x0] =	vst.idx.msk $0xffff, v63;
	v2 =	vsel vm14, v61, v3  }
0x173: {  	[tilespmem:v58+s11+$0x0] =	vst.idx.msk $0xffff, v2  }
0x174: {  	[hbm4b:s4+s2] =	stream.linear.scatter [tilespmem:s9], [sflag:$0x1], $0x2000, $0x38;
	[tilespmem:$0x4800] =	vst v63  }
0x175: {  	_ =	swait.ge [sflag:s8], $0x2000  }
0x176: {  	[sflag:s8] =	ssyncset.done $0x0  }
0x177: {  	[sflag:s8] =	ssyncadd.s32 $0xFFFFE000  }
0x178: {  	[hbm4b:s5+s2] =	stream.linear.scatter [tilespmem:s10], [sflag:$0x1], $0x400, $0x38;
	[tilespmem:$0x4800] =	vst v63  }
0x179: {  	s12 =	sadd.s32 $0x1, s12;
	_ =	swait.ge [sflag:s8], $0x400  }
0x17a: {  	p0 =	sne.s32 s12, s7;
	[sflag:s8] =	ssyncset.done $0x0  }
.Ltmp1:
0x17b: {  	[sflag:s8] =	ssyncadd.s32 $0xFFFFFC00;
	(pc) =	sbr.rel @p0 .LBB2_1-.Ltmp1, $4  }
0x17c: {  	[hbm4b:s6+s2] =	stream.linear.scatter [tilespmem:s11], [sflag:$0x1], $0x400, $0x38;
	[tilespmem:$0x4800] =	vst v63  }
0x17d: {  	_ =	swait.ge [sflag:s8], $0x400  }
0x17e: {  	[sflag:s8] =	ssyncset.done $0x0  }
0x17f: {  	[sflag:s8] =	ssyncadd.s32 $0xFFFFFC00  }
0x180: {  	_ =	sfence.sel $0x180000  }
0x181: {  	[bflag:$0x0] =	sbarrier.arrive $0xFFFF  }
0x182: {  	p0 =	sne.s32 s1, $0x0;
	_ =	strace $0x90000047  }
0x183: {  	s0 =	sadd.s32 @!p0 $0x100000, s0;
	[bflag:$0x2] =	sbarrier.arrive $0xFFFF  }
0x184: {  	[sflag:s0] =	ssyncadd.tile.s32 @!p0 $0x1;
	_ =	shalt  }
.Lfunc_end2:
_tile_overlayer_lowered:
.L_overlay_start_2:
0x185: {  	(tag) =	ssettag $0x2  }
0x186: {  	s0 =	rddreg [dreg:$0x0];
	s2 =	stileid.u32  }
0x187: {  	s1 =	rddreg [dreg:$0x1];
	p0 =	sne.s32 s2, $0x0  }
0x188: {  	s3 =	rddreg [dreg:$0x2];
	[bflag:$0x3] =	sbarrier.arrive $0xFFFF;
	s2 =	simm.s32 @!p0 $0x1C01  }
0x189: {  	[timem:s3], [sflag:s2] =	dma.local @!p0 [hbm:s0], s1  }
0x18a: {  	s0 =	simm.s32 @!p0 $0x1  }
0x18b: {  	_ =	swait.ge @!p0 [sflag:s0], s1  }
0x18c: {  	s1 =	ssub.s32 @!p0 $0x0, s1;
	[sflag:s0] =	ssyncset.done @!p0 $0x0  }
0x18d: {  	[sflag:s0] =	ssyncadd.s32 @!p0 s1  }
0x18e: {  	[bflag:$0x3] =	sbarrier.arrive $0xFFFF  }
0x18f: {  	_ =	shalt  }

</sc_bundles>
